<compile_context>
chip_gen: v7x
topology: tpu7x:2x2x1
jax: 0.10.2.dev20260603
libtpu: 0.0.44.dev20260713+nightly
codegen_flags: <defaults>
</compile_context>

<pallas_src>
import functools

import jax
import jax.numpy as jnp
from jax import lax
from jax.experimental import pallas as pl
from jax.experimental.pallas import tpu as pltpu
from jax.experimental.pallas import tpu_sc as plsc

_D = 128
_B = 4096
_F = 26
_N = _B * _F
_V = 1000
_NC, _NS = 2, 16
_NW = _NC * _NS
_BPW = _N // _NW
_C = 256
_NCHUNK = _BPW // _C
_NB = 3

_mesh = plsc.VectorSubcoreMesh(core_axis_name="c", subcore_axis_name="s")


@functools.partial(
    pl.kernel,
    out_type=jax.ShapeDtypeStruct((_N, _D), jnp.float32),
    mesh=_mesh,
    compiler_params=pltpu.CompilerParams(use_tc_tiling_on_sc=True),
    scratch_types=[
        pltpu.VMEM((_BPW,), jnp.int32),
        pltpu.VMEM((_NB, _C, _D), jnp.float32),
        pltpu.VMEM_SHARED((_V, _D), jnp.float32),
        pltpu.SemaphoreType.DMA,
        pltpu.SemaphoreType.DMA,
        pltpu.SemaphoreType.DMA,
    ],
)
def _gather_kernel(idx_hbm, table_hbm, out_hbm, idx_v, rows_v, table_sh,
                   sem_g, sem_w, sem_r):
    sid = lax.axis_index("s")
    wid = sid * _NC + lax.axis_index("c")
    base = wid * _BPW

    def gather(j, src, sem):
        return pltpu.async_copy(
            src.at[idx_v.at[pl.ds(j * _C, _C)]], rows_v.at[j % _NB], sem)

    def writeback(j):
        return pltpu.async_copy(
            rows_v.at[j % _NB], out_hbm.at[pl.ds(base + j * _C, _C)], sem_w)

    @pl.when(sid == 0)
    def _():
        pltpu.async_copy(table_hbm, table_sh, sem_r)

    pltpu.sync_copy(idx_hbm.at[pl.ds(base, _BPW)], idx_v)

    @pl.when(sid == 0)
    def _():
        pltpu.make_async_copy(table_hbm, table_sh, sem_r).wait()

    plsc.subcore_barrier()

    g = [None] * _NCHUNK
    w = [None] * _NCHUNK
    for j in range(_NB - 1):
        g[j] = gather(j, table_sh, sem_g)
    for j in range(_NCHUNK):
        if j + _NB - 1 < _NCHUNK:
            if j >= 1:
                w[j - 1].wait()
            g[j + _NB - 1] = gather(j + _NB - 1, table_sh, sem_g)
        g[j].wait()
        w[j] = writeback(j)
    for j in range(_NCHUNK - _NB, _NCHUNK):
        w[j].wait()


def kernel(x, embed_matrix):
    idx = x.astype(jnp.int32).T.reshape(-1)
    out = _gather_kernel(idx, embed_matrix)
    return out.reshape(_F, _B, _D).transpose(1, 0, 2)

# --- scband reference (transcript-rebuilt; emitter-appended) ---
"""Pipeline reference for scband-embedding-43447889166721 (READ-ONLY COPY).

The authoritative reference and input builder live on the scoring server;
editing this copy changes nothing except your own understanding.
"""

import jax, jax.numpy as jnp
import numpy as np

NUM_EMBEDDINGS = 1000
EMBEDDING_SIZE = 128
BATCH = 4096
FIELDS = 26


def setup_inputs(seed: int = 0) -> dict:
    key = jax.random.key(seed)
    k_x, k_w = jax.random.split(key)
    x = jax.random.randint(k_x, (BATCH, FIELDS), 0, NUM_EMBEDDINGS, dtype=jnp.int64 if jax.config.jax_enable_x64 else jnp.int32)
    embed_matrix = jax.random.normal(k_w, (NUM_EMBEDDINGS, EMBEDDING_SIZE), dtype=jnp.float32)
    return {"x": x, "embed_matrix": embed_matrix}


def reference(x, embed_matrix):
    # Faithful translation: one-hot encode then dense matmul against the
    # embedding table, exactly as the torch module does.
    one_h = jax.nn.one_hot(x, NUM_EMBEDDINGS, dtype=jnp.float32)  # (B, C, V)
    return jnp.matmul(one_h, embed_matrix)  # (B, C, E)

if __name__ == "__main__":
    import jax
    _d = setup_inputs()
    print(jax.jit(kernel)(*tuple(_d.values())))

</pallas_src>

<mosaic_0001>
#map = affine_map<(d0, d1) -> (0)>
#map1 = affine_map<(d0, d1) -> (0, 0)>
module attributes {stable_mosaic.version = 14 : i64} {
  func.func @_gather_kernel(%arg0: i32, %arg1: i32, %arg2: memref<106496xi32, #tpu.memory_space<hbm>>, %arg3: memref<1000x128xf32, #tpu.memory_space<hbm>>, %arg4: memref<106496x128xf32, #tpu.memory_space<hbm>>, %arg5: memref<3328xi32, #tpu.memory_space<vmem>>, %arg6: memref<3x256x128xf32, #tpu.memory_space<vmem>>, %arg7: memref<1000x128xf32, #tpu.memory_space<vmem_shared>>, %arg8: memref<!tpu.dma_semaphore, #tpu.memory_space<semaphore_mem>>, %arg9: memref<!tpu.dma_semaphore, #tpu.memory_space<semaphore_mem>>, %arg10: memref<!tpu.dma_semaphore, #tpu.memory_space<semaphore_mem>>) attributes {dimension_semantics = [#tpu.dimension_semantics<core_parallel>, #tpu.dimension_semantics<subcore_parallel>], iteration_bounds = array<i64: 2, 16>, scalar_prefetch = 0 : i64, scratch_operands = 6 : i64, tpu.core_type = #tpu.core_type<sc_vector_subcore>, window_params = [{transform_indices = #map}, {transform_indices = #map1}, {transform_indices = #map1}]} {
    %mul3A = arith.constant 2 : i32
    %mul3A_0 = arith.muli %arg1, %mul3A : i32
    %add3A = arith.addi %mul3A_0, %arg0 : i32
    %mul3A_1 = arith.constant 3328 : i32
    %mul3A_2 = arith.muli %add3A, %mul3A_1 : i32
    %eq3A = arith.constant 0 : i32
    %eq3A_3 = arith.cmpi eq, %arg1, %eq3A : i32
    %convert_element_type3A = arith.extui %eq3A_3 : i1 to i32
    %cond3A = arith.constant 0 : i32
    %cond3A_4 = arith.cmpi ne, %convert_element_type3A, %cond3A : i32
    scf.if %cond3A_4 {
      tpu.enqueue_dma source(%arg3 : memref<1000x128xf32, #tpu.memory_space<hbm>>) target(%arg7 : memref<1000x128xf32, #tpu.memory_space<vmem_shared>>) target_semaphore(%arg10 : memref<!tpu.dma_semaphore, #tpu.memory_space<semaphore_mem>>)
    } else {
    }
    "tpu.region"() ({
      %run_scoped3A = tpu.sem_alloc : memref<!tpu.dma_semaphore, #tpu.memory_space<semaphore_mem>>
      %dma_start3A_632 = tpu.memref_slice %arg2[%mul3A_2] : memref<106496xi32, #tpu.memory_space<hbm>> -> memref<3328xi32, #tpu.memory_space<hbm>>
      %dma_start3A_633 = tpu.memref_slice %arg2[%mul3A_2] : memref<106496xi32, #tpu.memory_space<hbm>> -> memref<3328xi32, #tpu.memory_space<hbm>>
      tpu.enqueue_dma source(%dma_start3A_633 : memref<3328xi32, #tpu.memory_space<hbm>>) target(%arg5 : memref<3328xi32, #tpu.memory_space<vmem>>) target_semaphore(%run_scoped3A : memref<!tpu.dma_semaphore, #tpu.memory_space<semaphore_mem>>)
      %dma_wait3A_634 = tpu.memref_slice %arg2[%mul3A_2] : memref<106496xi32, #tpu.memory_space<hbm>> -> memref<3328xi32, #tpu.memory_space<hbm>>
      %dma_wait3A_635 = tpu.memref_slice %arg2[%mul3A_2] : memref<106496xi32, #tpu.memory_space<hbm>> -> memref<3328xi32, #tpu.memory_space<hbm>>
      tpu.wait_dma2 semaphore(%run_scoped3A : memref<!tpu.dma_semaphore, #tpu.memory_space<semaphore_mem>>) src(%dma_wait3A_635 : memref<3328xi32, #tpu.memory_space<hbm>>) dst(%arg5 : memref<3328xi32, #tpu.memory_space<vmem>>)
      tpu.yield
    }) : () -> ()
    %eq3A_5 = arith.constant 0 : i32
    %eq3A_6 = arith.cmpi eq, %arg1, %eq3A_5 : i32
    %convert_element_type3A_7 = arith.extui %eq3A_6 : i1 to i32
    %cond3A_8 = arith.constant 0 : i32
    %cond3A_9 = arith.cmpi ne, %convert_element_type3A_7, %cond3A_8 : i32
    scf.if %cond3A_9 {
      tpu.wait_dma2 semaphore(%arg10 : memref<!tpu.dma_semaphore, #tpu.memory_space<semaphore_mem>>) src(%arg3 : memref<1000x128xf32, #tpu.memory_space<hbm>>) dst(%arg7 : memref<1000x128xf32, #tpu.memory_space<vmem_shared>>)
    } else {
    }
    %barrier3A = arith.constant 0 : index
    tpu.barrier barrier_id(%barrier3A)
    %dma_start3A = arith.constant 0 : i32
    %dma_start3A_10 = arith.constant 0 : i32
    %dma_start3A_11 = arith.constant 0 : i32
    %dma_start3A_12 = tpu.memref_slice %arg6[%dma_start3A, %dma_start3A_10, %dma_start3A_11] : memref<3x256x128xf32, #tpu.memory_space<vmem>> -> memref<1x256x128xf32, #tpu.memory_space<vmem>>
    %dma_start3A_13 = tpu.memref_squeeze %dma_start3A_12 : memref<1x256x128xf32, #tpu.memory_space<vmem>> -> memref<256x128xf32, #tpu.memory_space<vmem>>
    %dma_start3A_14 = arith.constant 0 : i32
    %dma_start3A_15 = tpu.memref_slice %arg5[%dma_start3A_14] : memref<3328xi32, #tpu.memory_space<vmem>> -> memref<256xi32, #tpu.memory_space<vmem>>
    %dma_start3A_16 = arith.constant 0 : i32
    %dma_start3A_17 = arith.constant 0 : i32
    %dma_start3A_18 = tpu.memref_slice %arg7[%dma_start3A_16, %dma_start3A_17] : memref<1000x128xf32, #tpu.memory_space<vmem_shared>> -> memref<1000x128xf32, #tpu.memory_space<vmem_shared>>
    tpu.enqueue_indirect_dma source(%dma_start3A_18 : memref<1000x128xf32, #tpu.memory_space<vmem_shared>>) target(%dma_start3A_13 : memref<256x128xf32, #tpu.memory_space<vmem>>) offsets(%dma_start3A_15 : memref<256xi32, #tpu.memory_space<vmem>>) semaphore(%arg8 : memref<!tpu.dma_semaphore, #tpu.memory_space<semaphore_mem>>)
    %dma_start3A_19 = arith.constant 1 : i32
    %dma_start3A_20 = arith.constant 0 : i32
    %dma_start3A_21 = arith.constant 0 : i32
    %dma_start3A_22 = tpu.memref_slice %arg6[%dma_start3A_19, %dma_start3A_20, %dma_start3A_21] : memref<3x256x128xf32, #tpu.memory_space<vmem>> -> memref<1x256x128xf32, #tpu.memory_space<vmem>>
    %dma_start3A_23 = tpu.memref_squeeze %dma_start3A_22 : memref<1x256x128xf32, #tpu.memory_space<vmem>> -> memref<256x128xf32, #tpu.memory_space<vmem>>
    %dma_start3A_24 = arith.constant 256 : i32
    %dma_start3A_25 = tpu.memref_slice %arg5[%dma_start3A_24] : memref<3328xi32, #tpu.memory_space<vmem>> -> memref<256xi32, #tpu.memory_space<vmem>>
    %dma_start3A_26 = arith.constant 0 : i32
    %dma_start3A_27 = arith.constant 0 : i32
    %dma_start3A_28 = tpu.memref_slice %arg7[%dma_start3A_26, %dma_start3A_27] : memref<1000x128xf32, #tpu.memory_space<vmem_shared>> -> memref<1000x128xf32, #tpu.memory_space<vmem_shared>>
    tpu.enqueue_indirect_dma source(%dma_start3A_28 : memref<1000x128xf32, #tpu.memory_space<vmem_shared>>) target(%dma_start3A_23 : memref<256x128xf32, #tpu.memory_space<vmem>>) offsets(%dma_start3A_25 : memref<256xi32, #tpu.memory_space<vmem>>) semaphore(%arg8 : memref<!tpu.dma_semaphore, #tpu.memory_space<semaphore_mem>>)
    %dma_start3A_29 = arith.constant 2 : i32
    %dma_start3A_30 = arith.constant 0 : i32
    %dma_start3A_31 = arith.constant 0 : i32
    %dma_start3A_32 = tpu.memref_slice %arg6[%dma_start3A_29, %dma_start3A_30, %dma_start3A_31] : memref<3x256x128xf32, #tpu.memory_space<vmem>> -> memref<1x256x128xf32, #tpu.memory_space<vmem>>
    %dma_start3A_33 = tpu.memref_squeeze %dma_start3A_32 : memref<1x256x128xf32, #tpu.memory_space<vmem>> -> memref<256x128xf32, #tpu.memory_space<vmem>>
    %dma_start3A_34 = arith.constant 512 : i32
    %dma_start3A_35 = tpu.memref_slice %arg5[%dma_start3A_34] : memref<3328xi32, #tpu.memory_space<vmem>> -> memref<256xi32, #tpu.memory_space<vmem>>
    %dma_start3A_36 = arith.constant 0 : i32
    %dma_start3A_37 = arith.constant 0 : i32
    %dma_start3A_38 = tpu.memref_slice %arg7[%dma_start3A_36, %dma_start3A_37] : memref<1000x128xf32, #tpu.memory_space<vmem_shared>> -> memref<1000x128xf32, #tpu.memory_space<vmem_shared>>
    tpu.enqueue_indirect_dma source(%dma_start3A_38 : memref<1000x128xf32, #tpu.memory_space<vmem_shared>>) target(%dma_start3A_33 : memref<256x128xf32, #tpu.memory_space<vmem>>) offsets(%dma_start3A_35 : memref<256xi32, #tpu.memory_space<vmem>>) semaphore(%arg8 : memref<!tpu.dma_semaphore, #tpu.memory_space<semaphore_mem>>)
    %dma_wait3A = arith.constant 0 : i32
    %dma_wait3A_39 = arith.constant 0 : i32
    %dma_wait3A_40 = arith.constant 0 : i32
    %dma_wait3A_41 = tpu.memref_slice %arg6[%dma_wait3A, %dma_wait3A_39, %dma_wait3A_40] : memref<3x256x128xf32, #tpu.memory_space<vmem>> -> memref<1x256x128xf32, #tpu.memory_space<vmem>>
    %dma_wait3A_42 = tpu.memref_squeeze %dma_wait3A_41 : memref<1x256x128xf32, #tpu.memory_space<vmem>> -> memref<256x128xf32, #tpu.memory_space<vmem>>
    %dma_wait3A_43 = arith.constant 0 : i32
    %dma_wait3A_44 = tpu.memref_slice %arg5[%dma_wait3A_43] : memref<3328xi32, #tpu.memory_space<vmem>> -> memref<256xi32, #tpu.memory_space<vmem>>
    %dma_wait3A_45 = arith.constant 0 : i32
    %dma_wait3A_46 = arith.constant 0 : i32
    %dma_wait3A_47 = tpu.memref_slice %arg7[%dma_wait3A_45, %dma_wait3A_46] : memref<1000x128xf32, #tpu.memory_space<vmem_shared>> -> memref<1000x128xf32, #tpu.memory_space<vmem_shared>>
    tpu.wait_indirect_dma semaphore(%arg8 : memref<!tpu.dma_semaphore, #tpu.memory_space<semaphore_mem>>) src(%dma_wait3A_47 : memref<1000x128xf32, #tpu.memory_space<vmem_shared>>) dst(%dma_wait3A_42 : memref<256x128xf32, #tpu.memory_space<vmem>>)
    %add3A_48 = arith.constant 0 : i32
    %add3A_49 = arith.addi %mul3A_2, %add3A_48 : i32
    %dma_start3A_50 = arith.constant 0 : i32
    %dma_start3A_51 = arith.constant 0 : i32
    %dma_start3A_52 = arith.constant 0 : i32
    %dma_start3A_53 = tpu.memref_slice %arg6[%dma_start3A_50, %dma_start3A_51, %dma_start3A_52] : memref<3x256x128xf32, #tpu.memory_space<vmem>> -> memref<1x256x128xf32, #tpu.memory_space<vmem>>
    %dma_start3A_54 = tpu.memref_squeeze %dma_start3A_53 : memref<1x256x128xf32, #tpu.memory_space<vmem>> -> memref<256x128xf32, #tpu.memory_space<vmem>>
    %dma_start3A_55 = arith.constant 0 : i32
    %dma_start3A_56 = tpu.memref_slice %arg4[%add3A_49, %dma_start3A_55] : memref<106496x128xf32, #tpu.memory_space<hbm>> -> memref<256x128xf32, #tpu.memory_space<hbm>>
    %dma_start3A_57 = arith.constant 0 : i32
    %dma_start3A_58 = tpu.memref_slice %arg4[%add3A_49, %dma_start3A_57] : memref<106496x128xf32, #tpu.memory_space<hbm>> -> memref<256x128xf32, #tpu.memory_space<hbm>>
    %dma_start3A_59 = arith.constant 0 : i32
    %dma_start3A_60 = arith.constant 0 : i32
    %dma_start3A_61 = tpu.memref_slice %arg6[%dma_start3A_50, %dma_start3A_59, %dma_start3A_60] : memref<3x256x128xf32, #tpu.memory_space<vmem>> -> memref<1x256x128xf32, #tpu.memory_space<vmem>>
    %dma_start3A_62 = tpu.memref_squeeze %dma_start3A_61 : memref<1x256x128xf32, #tpu.memory_space<vmem>> -> memref<256x128xf32, #tpu.memory_space<vmem>>
    tpu.enqueue_dma source(%dma_start3A_62 : memref<256x128xf32, #tpu.memory_space<vmem>>) target(%dma_start3A_58 : memref<256x128xf32, #tpu.memory_space<hbm>>) target_semaphore(%arg9 : memref<!tpu.dma_semaphore, #tpu.memory_space<semaphore_mem>>)
    %dma_wait3A_63 = arith.constant 0 : i32
    %dma_wait3A_64 = arith.constant 0 : i32
    %dma_wait3A_65 = arith.constant 0 : i32
    %dma_wait3A_66 = tpu.memref_slice %arg6[%dma_wait3A_63, %dma_wait3A_64, %dma_wait3A_65] : memref<3x256x128xf32, #tpu.memory_space<vmem>> -> memref<1x256x128xf32, #tpu.memory_space<vmem>>
    %dma_wait3A_67 = tpu.memref_squeeze %dma_wait3A_66 : memref<1x256x128xf32, #tpu.memory_space<vmem>> -> memref<256x128xf32, #tpu.memory_space<vmem>>
    %dma_wait3A_68 = arith.constant 0 : i32
    %dma_wait3A_69 = tpu.memref_slice %arg4[%add3A_49, %dma_wait3A_68] : memref<106496x128xf32, #tpu.memory_space<hbm>> -> memref<256x128xf32, #tpu.memory_space<hbm>>
    %dma_wait3A_70 = arith.constant 0 : i32
    %dma_wait3A_71 = tpu.memref_slice %arg4[%add3A_49, %dma_wait3A_70] : memref<106496x128xf32, #tpu.memory_space<hbm>> -> memref<256x128xf32, #tpu.memory_space<hbm>>
    %dma_wait3A_72 = arith.constant 0 : i32
    %dma_wait3A_73 = arith.constant 0 : i32
    %dma_wait3A_74 = tpu.memref_slice %arg6[%dma_wait3A_63, %dma_wait3A_72, %dma_wait3A_73] : memref<3x256x128xf32, #tpu.memory_space<vmem>> -> memref<1x256x128xf32, #tpu.memory_space<vmem>>
    %dma_wait3A_75 = tpu.memref_squeeze %dma_wait3A_74 : memref<1x256x128xf32, #tpu.memory_space<vmem>> -> memref<256x128xf32, #tpu.memory_space<vmem>>
    tpu.wait_dma2 semaphore(%arg9 : memref<!tpu.dma_semaphore, #tpu.memory_space<semaphore_mem>>) src(%dma_wait3A_75 : memref<256x128xf32, #tpu.memory_space<vmem>>) dst(%dma_wait3A_71 : memref<256x128xf32, #tpu.memory_space<hbm>>)
    %dma_start3A_76 = arith.constant 0 : i32
    %dma_start3A_77 = arith.constant 0 : i32
    %dma_start3A_78 = arith.constant 0 : i32
    %dma_start3A_79 = tpu.memref_slice %arg6[%dma_start3A_76, %dma_start3A_77, %dma_start3A_78] : memref<3x256x128xf32, #tpu.memory_space<vmem>> -> memref<1x256x128xf32, #tpu.memory_space<vmem>>
    %dma_start3A_80 = tpu.memref_squeeze %dma_start3A_79 : memref<1x256x128xf32, #tpu.memory_space<vmem>> -> memref<256x128xf32, #tpu.memory_space<vmem>>
    %dma_start3A_81 = arith.constant 768 : i32
    %dma_start3A_82 = tpu.memref_slice %arg5[%dma_start3A_81] : memref<3328xi32, #tpu.memory_space<vmem>> -> memref<256xi32, #tpu.memory_space<vmem>>
    %dma_start3A_83 = arith.constant 0 : i32
    %dma_start3A_84 = arith.constant 0 : i32
    %dma_start3A_85 = tpu.memref_slice %arg7[%dma_start3A_83, %dma_start3A_84] : memref<1000x128xf32, #tpu.memory_space<vmem_shared>> -> memref<1000x128xf32, #tpu.memory_space<vmem_shared>>
    tpu.enqueue_indirect_dma source(%dma_start3A_85 : memref<1000x128xf32, #tpu.memory_space<vmem_shared>>) target(%dma_start3A_80 : memref<256x128xf32, #tpu.memory_space<vmem>>) offsets(%dma_start3A_82 : memref<256xi32, #tpu.memory_space<vmem>>) semaphore(%arg8 : memref<!tpu.dma_semaphore, #tpu.memory_space<semaphore_mem>>)
    %dma_wait3A_86 = arith.constant 1 : i32
    %dma_wait3A_87 = arith.constant 0 : i32
    %dma_wait3A_88 = arith.constant 0 : i32
    %dma_wait3A_89 = tpu.memref_slice %arg6[%dma_wait3A_86, %dma_wait3A_87, %dma_wait3A_88] : memref<3x256x128xf32, #tpu.memory_space<vmem>> -> memref<1x256x128xf32, #tpu.memory_space<vmem>>
    %dma_wait3A_90 = tpu.memref_squeeze %dma_wait3A_89 : memref<1x256x128xf32, #tpu.memory_space<vmem>> -> memref<256x128xf32, #tpu.memory_space<vmem>>
    %dma_wait3A_91 = arith.constant 256 : i32
    %dma_wait3A_92 = tpu.memref_slice %arg5[%dma_wait3A_91] : memref<3328xi32, #tpu.memory_space<vmem>> -> memref<256xi32, #tpu.memory_space<vmem>>
    %dma_wait3A_93 = arith.constant 0 : i32
    %dma_wait3A_94 = arith.constant 0 : i32
    %dma_wait3A_95 = tpu.memref_slice %arg7[%dma_wait3A_93, %dma_wait3A_94] : memref<1000x128xf32, #tpu.memory_space<vmem_shared>> -> memref<1000x128xf32, #tpu.memory_space<vmem_shared>>
    tpu.wait_indirect_dma semaphore(%arg8 : memref<!tpu.dma_semaphore, #tpu.memory_space<semaphore_mem>>) src(%dma_wait3A_95 : memref<1000x128xf32, #tpu.memory_space<vmem_shared>>) dst(%dma_wait3A_90 : memref<256x128xf32, #tpu.memory_space<vmem>>)
    %add3A_96 = arith.constant 256 : i32
    %add3A_97 = arith.addi %mul3A_2, %add3A_96 : i32
    %dma_start3A_98 = arith.constant 1 : i32
    %dma_start3A_99 = arith.constant 0 : i32
    %dma_start3A_100 = arith.constant 0 : i32
    %dma_start3A_101 = tpu.memref_slice %arg6[%dma_start3A_98, %dma_start3A_99, %dma_start3A_100] : memref<3x256x128xf32, #tpu.memory_space<vmem>> -> memref<1x256x128xf32, #tpu.memory_space<vmem>>
    %dma_start3A_102 = tpu.memref_squeeze %dma_start3A_101 : memref<1x256x128xf32, #tpu.memory_space<vmem>> -> memref<256x128xf32, #tpu.memory_space<vmem>>
    %dma_start3A_103 = arith.constant 0 : i32
    %dma_start3A_104 = tpu.memref_slice %arg4[%add3A_97, %dma_start3A_103] : memref<106496x128xf32, #tpu.memory_space<hbm>> -> memref<256x128xf32, #tpu.memory_space<hbm>>
    %dma_start3A_105 = arith.constant 0 : i32
    %dma_start3A_106 = tpu.memref_slice %arg4[%add3A_97, %dma_start3A_105] : memref<106496x128xf32, #tpu.memory_space<hbm>> -> memref<256x128xf32, #tpu.memory_space<hbm>>
    %dma_start3A_107 = arith.constant 0 : i32
    %dma_start3A_108 = arith.constant 0 : i32
    %dma_start3A_109 = tpu.memref_slice %arg6[%dma_start3A_98, %dma_start3A_107, %dma_start3A_108] : memref<3x256x128xf32, #tpu.memory_space<vmem>> -> memref<1x256x128xf32, #tpu.memory_space<vmem>>
    %dma_start3A_110 = tpu.memref_squeeze %dma_start3A_109 : memref<1x256x128xf32, #tpu.memory_space<vmem>> -> memref<256x128xf32, #tpu.memory_space<vmem>>
    tpu.enqueue_dma source(%dma_start3A_110 : memref<256x128xf32, #tpu.memory_space<vmem>>) target(%dma_start3A_106 : memref<256x128xf32, #tpu.memory_space<hbm>>) target_semaphore(%arg9 : memref<!tpu.dma_semaphore, #tpu.memory_space<semaphore_mem>>)
    %dma_wait3A_111 = arith.constant 1 : i32
    %dma_wait3A_112 = arith.constant 0 : i32
    %dma_wait3A_113 = arith.constant 0 : i32
    %dma_wait3A_114 = tpu.memref_slice %arg6[%dma_wait3A_111, %dma_wait3A_112, %dma_wait3A_113] : memref<3x256x128xf32, #tpu.memory_space<vmem>> -> memref<1x256x128xf32, #tpu.memory_space<vmem>>
    %dma_wait3A_115 = tpu.memref_squeeze %dma_wait3A_114 : memref<1x256x128xf32, #tpu.memory_space<vmem>> -> memref<256x128xf32, #tpu.memory_space<vmem>>
    %dma_wait3A_116 = arith.constant 0 : i32
    %dma_wait3A_117 = tpu.memref_slice %arg4[%add3A_97, %dma_wait3A_116] : memref<106496x128xf32, #tpu.memory_space<hbm>> -> memref<256x128xf32, #tpu.memory_space<hbm>>
    %dma_wait3A_118 = arith.constant 0 : i32
    %dma_wait3A_119 = tpu.memref_slice %arg4[%add3A_97, %dma_wait3A_118] : memref<106496x128xf32, #tpu.memory_space<hbm>> -> memref<256x128xf32, #tpu.memory_space<hbm>>
    %dma_wait3A_120 = arith.constant 0 : i32
    %dma_wait3A_121 = arith.constant 0 : i32
    %dma_wait3A_122 = tpu.memref_slice %arg6[%dma_wait3A_111, %dma_wait3A_120, %dma_wait3A_121] : memref<3x256x128xf32, #tpu.memory_space<vmem>> -> memref<1x256x128xf32, #tpu.memory_space<vmem>>
    %dma_wait3A_123 = tpu.memref_squeeze %dma_wait3A_122 : memref<1x256x128xf32, #tpu.memory_space<vmem>> -> memref<256x128xf32, #tpu.memory_space<vmem>>
    tpu.wait_dma2 semaphore(%arg9 : memref<!tpu.dma_semaphore, #tpu.memory_space<semaphore_mem>>) src(%dma_wait3A_123 : memref<256x128xf32, #tpu.memory_space<vmem>>) dst(%dma_wait3A_119 : memref<256x128xf32, #tpu.memory_space<hbm>>)
    %dma_start3A_124 = arith.constant 1 : i32
    %dma_start3A_125 = arith.constant 0 : i32
    %dma_start3A_126 = arith.constant 0 : i32
    %dma_start3A_127 = tpu.memref_slice %arg6[%dma_start3A_124, %dma_start3A_125, %dma_start3A_126] : memref<3x256x128xf32, #tpu.memory_space<vmem>> -> memref<1x256x128xf32, #tpu.memory_space<vmem>>
    %dma_start3A_128 = tpu.memref_squeeze %dma_start3A_127 : memref<1x256x128xf32, #tpu.memory_space<vmem>> -> memref<256x128xf32, #tpu.memory_space<vmem>>
    %dma_start3A_129 = arith.constant 1024 : i32
    %dma_start3A_130 = tpu.memref_slice %arg5[%dma_start3A_129] : memref<3328xi32, #tpu.memory_space<vmem>> -> memref<256xi32, #tpu.memory_space<vmem>>
    %dma_start3A_131 = arith.constant 0 : i32
    %dma_start3A_132 = arith.constant 0 : i32
    %dma_start3A_133 = tpu.memref_slice %arg7[%dma_start3A_131, %dma_start3A_132] : memref<1000x128xf32, #tpu.memory_space<vmem_shared>> -> memref<1000x128xf32, #tpu.memory_space<vmem_shared>>
    tpu.enqueue_indirect_dma source(%dma_start3A_133 : memref<1000x128xf32, #tpu.memory_space<vmem_shared>>) target(%dma_start3A_128 : memref<256x128xf32, #tpu.memory_space<vmem>>) offsets(%dma_start3A_130 : memref<256xi32, #tpu.memory_space<vmem>>) semaphore(%arg8 : memref<!tpu.dma_semaphore, #tpu.memory_space<semaphore_mem>>)
    %dma_wait3A_134 = arith.constant 2 : i32
    %dma_wait3A_135 = arith.constant 0 : i32
    %dma_wait3A_136 = arith.constant 0 : i32
    %dma_wait3A_137 = tpu.memref_slice %arg6[%dma_wait3A_134, %dma_wait3A_135, %dma_wait3A_136] : memref<3x256x128xf32, #tpu.memory_space<vmem>> -> memref<1x256x128xf32, #tpu.memory_space<vmem>>
    %dma_wait3A_138 = tpu.memref_squeeze %dma_wait3A_137 : memref<1x256x128xf32, #tpu.memory_space<vmem>> -> memref<256x128xf32, #tpu.memory_space<vmem>>
    %dma_wait3A_139 = arith.constant 512 : i32
    %dma_wait3A_140 = tpu.memref_slice %arg5[%dma_wait3A_139] : memref<3328xi32, #tpu.memory_space<vmem>> -> memref<256xi32, #tpu.memory_space<vmem>>
    %dma_wait3A_141 = arith.constant 0 : i32
    %dma_wait3A_142 = arith.constant 0 : i32
    %dma_wait3A_143 = tpu.memref_slice %arg7[%dma_wait3A_141, %dma_wait3A_142] : memref<1000x128xf32, #tpu.memory_space<vmem_shared>> -> memref<1000x128xf32, #tpu.memory_space<vmem_shared>>
    tpu.wait_indirect_dma semaphore(%arg8 : memref<!tpu.dma_semaphore, #tpu.memory_space<semaphore_mem>>) src(%dma_wait3A_143 : memref<1000x128xf32, #tpu.memory_space<vmem_shared>>) dst(%dma_wait3A_138 : memref<256x128xf32, #tpu.memory_space<vmem>>)
    %add3A_144 = arith.constant 512 : i32
    %add3A_145 = arith.addi %mul3A_2, %add3A_144 : i32
    %dma_start3A_146 = arith.constant 2 : i32
    %dma_start3A_147 = arith.constant 0 : i32
    %dma_start3A_148 = arith.constant 0 : i32
    %dma_start3A_149 = tpu.memref_slice %arg6[%dma_start3A_146, %dma_start3A_147, %dma_start3A_148] : memref<3x256x128xf32, #tpu.memory_space<vmem>> -> memref<1x256x128xf32, #tpu.memory_space<vmem>>
    %dma_start3A_150 = tpu.memref_squeeze %dma_start3A_149 : memref<1x256x128xf32, #tpu.memory_space<vmem>> -> memref<256x128xf32, #tpu.memory_space<vmem>>
    %dma_start3A_151 = arith.constant 0 : i32
    %dma_start3A_152 = tpu.memref_slice %arg4[%add3A_145, %dma_start3A_151] : memref<106496x128xf32, #tpu.memory_space<hbm>> -> memref<256x128xf32, #tpu.memory_space<hbm>>
    %dma_start3A_153 = arith.constant 0 : i32
    %dma_start3A_154 = tpu.memref_slice %arg4[%add3A_145, %dma_start3A_153] : memref<106496x128xf32, #tpu.memory_space<hbm>> -> memref<256x128xf32, #tpu.memory_space<hbm>>
    %dma_start3A_155 = arith.constant 0 : i32
    %dma_start3A_156 = arith.constant 0 : i32
    %dma_start3A_157 = tpu.memref_slice %arg6[%dma_start3A_146, %dma_start3A_155, %dma_start3A_156] : memref<3x256x128xf32, #tpu.memory_space<vmem>> -> memref<1x256x128xf32, #tpu.memory_space<vmem>>
    %dma_start3A_158 = tpu.memref_squeeze %dma_start3A_157 : memref<1x256x128xf32, #tpu.memory_space<vmem>> -> memref<256x128xf32, #tpu.memory_space<vmem>>
    tpu.enqueue_dma source(%dma_start3A_158 : memref<256x128xf32, #tpu.memory_space<vmem>>) target(%dma_start3A_154 : memref<256x128xf32, #tpu.memory_space<hbm>>) target_semaphore(%arg9 : memref<!tpu.dma_semaphore, #tpu.memory_space<semaphore_mem>>)
    %dma_wait3A_159 = arith.constant 2 : i32
    %dma_wait3A_160 = arith.constant 0 : i32
    %dma_wait3A_161 = arith.constant 0 : i32
    %dma_wait3A_162 = tpu.memref_slice %arg6[%dma_wait3A_159, %dma_wait3A_160, %dma_wait3A_161] : memref<3x256x128xf32, #tpu.memory_space<vmem>> -> memref<1x256x128xf32, #tpu.memory_space<vmem>>
    %dma_wait3A_163 = tpu.memref_squeeze %dma_wait3A_162 : memref<1x256x128xf32, #tpu.memory_space<vmem>> -> memref<256x128xf32, #tpu.memory_space<vmem>>
    %dma_wait3A_164 = arith.constant 0 : i32
    %dma_wait3A_165 = tpu.memref_slice %arg4[%add3A_145, %dma_wait3A_164] : memref<106496x128xf32, #tpu.memory_space<hbm>> -> memref<256x128xf32, #tpu.memory_space<hbm>>
    %dma_wait3A_166 = arith.constant 0 : i32
    %dma_wait3A_167 = tpu.memref_slice %arg4[%add3A_145, %dma_wait3A_166] : memref<106496x128xf32, #tpu.memory_space<hbm>> -> memref<256x128xf32, #tpu.memory_space<hbm>>
    %dma_wait3A_168 = arith.constant 0 : i32
    %dma_wait3A_169 = arith.constant 0 : i32
    %dma_wait3A_170 = tpu.memref_slice %arg6[%dma_wait3A_159, %dma_wait3A_168, %dma_wait3A_169] : memref<3x256x128xf32, #tpu.memory_space<vmem>> -> memref<1x256x128xf32, #tpu.memory_space<vmem>>
    %dma_wait3A_171 = tpu.memref_squeeze %dma_wait3A_170 : memref<1x256x128xf32, #tpu.memory_space<vmem>> -> memref<256x128xf32, #tpu.memory_space<vmem>>
    tpu.wait_dma2 semaphore(%arg9 : memref<!tpu.dma_semaphore, #tpu.memory_space<semaphore_mem>>) src(%dma_wait3A_171 : memref<256x128xf32, #tpu.memory_space<vmem>>) dst(%dma_wait3A_167 : memref<256x128xf32, #tpu.memory_space<hbm>>)
    %dma_start3A_172 = arith.constant 2 : i32
    %dma_start3A_173 = arith.constant 0 : i32
    %dma_start3A_174 = arith.constant 0 : i32
    %dma_start3A_175 = tpu.memref_slice %arg6[%dma_start3A_172, %dma_start3A_173, %dma_start3A_174] : memref<3x256x128xf32, #tpu.memory_space<vmem>> -> memref<1x256x128xf32, #tpu.memory_space<vmem>>
    %dma_start3A_176 = tpu.memref_squeeze %dma_start3A_175 : memref<1x256x128xf32, #tpu.memory_space<vmem>> -> memref<256x128xf32, #tpu.memory_space<vmem>>
    %dma_start3A_177 = arith.constant 1280 : i32
    %dma_start3A_178 = tpu.memref_slice %arg5[%dma_start3A_177] : memref<3328xi32, #tpu.memory_space<vmem>> -> memref<256xi32, #tpu.memory_space<vmem>>
    %dma_start3A_179 = arith.constant 0 : i32
    %dma_start3A_180 = arith.constant 0 : i32
    %dma_start3A_181 = tpu.memref_slice %arg7[%dma_start3A_179, %dma_start3A_180] : memref<1000x128xf32, #tpu.memory_space<vmem_shared>> -> memref<1000x128xf32, #tpu.memory_space<vmem_shared>>
    tpu.enqueue_indirect_dma source(%dma_start3A_181 : memref<1000x128xf32, #tpu.memory_space<vmem_shared>>) target(%dma_start3A_176 : memref<256x128xf32, #tpu.memory_space<vmem>>) offsets(%dma_start3A_178 : memref<256xi32, #tpu.memory_space<vmem>>) semaphore(%arg8 : memref<!tpu.dma_semaphore, #tpu.memory_space<semaphore_mem>>)
    %dma_wait3A_182 = arith.constant 0 : i32
    %dma_wait3A_183 = arith.constant 0 : i32
    %dma_wait3A_184 = arith.constant 0 : i32
    %dma_wait3A_185 = tpu.memref_slice %arg6[%dma_wait3A_182, %dma_wait3A_183, %dma_wait3A_184] : memref<3x256x128xf32, #tpu.memory_space<vmem>> -> memref<1x256x128xf32, #tpu.memory_space<vmem>>
    %dma_wait3A_186 = tpu.memref_squeeze %dma_wait3A_185 : memref<1x256x128xf32, #tpu.memory_space<vmem>> -> memref<256x128xf32, #tpu.memory_space<vmem>>
    %dma_wait3A_187 = arith.constant 768 : i32
    %dma_wait3A_188 = tpu.memref_slice %arg5[%dma_wait3A_187] : memref<3328xi32, #tpu.memory_space<vmem>> -> memref<256xi32, #tpu.memory_space<vmem>>
    %dma_wait3A_189 = arith.constant 0 : i32
    %dma_wait3A_190 = arith.constant 0 : i32
    %dma_wait3A_191 = tpu.memref_slice %arg7[%dma_wait3A_189, %dma_wait3A_190] : memref<1000x128xf32, #tpu.memory_space<vmem_shared>> -> memref<1000x128xf32, #tpu.memory_space<vmem_shared>>
    tpu.wait_indirect_dma semaphore(%arg8 : memref<!tpu.dma_semaphore, #tpu.memory_space<semaphore_mem>>) src(%dma_wait3A_191 : memref<1000x128xf32, #tpu.memory_space<vmem_shared>>) dst(%dma_wait3A_186 : memref<256x128xf32, #tpu.memory_space<vmem>>)
    %add3A_192 = arith.constant 768 : i32
    %add3A_193 = arith.addi %mul3A_2, %add3A_192 : i32
    %dma_start3A_194 = arith.constant 0 : i32
    %dma_start3A_195 = arith.constant 0 : i32
    %dma_start3A_196 = arith.constant 0 : i32
    %dma_start3A_197 = tpu.memref_slice %arg6[%dma_start3A_194, %dma_start3A_195, %dma_start3A_196] : memref<3x256x128xf32, #tpu.memory_space<vmem>> -> memref<1x256x128xf32, #tpu.memory_space<vmem>>
    %dma_start3A_198 = tpu.memref_squeeze %dma_start3A_197 : memref<1x256x128xf32, #tpu.memory_space<vmem>> -> memref<256x128xf32, #tpu.memory_space<vmem>>
    %dma_start3A_199 = arith.constant 0 : i32
    %dma_start3A_200 = tpu.memref_slice %arg4[%add3A_193, %dma_start3A_199] : memref<106496x128xf32, #tpu.memory_space<hbm>> -> memref<256x128xf32, #tpu.memory_space<hbm>>
    %dma_start3A_201 = arith.constant 0 : i32
    %dma_start3A_202 = tpu.memref_slice %arg4[%add3A_193, %dma_start3A_201] : memref<106496x128xf32, #tpu.memory_space<hbm>> -> memref<256x128xf32, #tpu.memory_space<hbm>>
    %dma_start3A_203 = arith.constant 0 : i32
    %dma_start3A_204 = arith.constant 0 : i32
    %dma_start3A_205 = tpu.memref_slice %arg6[%dma_start3A_194, %dma_start3A_203, %dma_start3A_204] : memref<3x256x128xf32, #tpu.memory_space<vmem>> -> memref<1x256x128xf32, #tpu.memory_space<vmem>>
    %dma_start3A_206 = tpu.memref_squeeze %dma_start3A_205 : memref<1x256x128xf32, #tpu.memory_space<vmem>> -> memref<256x128xf32, #tpu.memory_space<vmem>>
    tpu.enqueue_dma source(%dma_start3A_206 : memref<256x128xf32, #tpu.memory_space<vmem>>) target(%dma_start3A_202 : memref<256x128xf32, #tpu.memory_space<hbm>>) target_semaphore(%arg9 : memref<!tpu.dma_semaphore, #tpu.memory_space<semaphore_mem>>)
    %dma_wait3A_207 = arith.constant 0 : i32
    %dma_wait3A_208 = arith.constant 0 : i32
    %dma_wait3A_209 = arith.constant 0 : i32
    %dma_wait3A_210 = tpu.memref_slice %arg6[%dma_wait3A_207, %dma_wait3A_208, %dma_wait3A_209] : memref<3x256x128xf32, #tpu.memory_space<vmem>> -> memref<1x256x128xf32, #tpu.memory_space<vmem>>
    %dma_wait3A_211 = tpu.memref_squeeze %dma_wait3A_210 : memref<1x256x128xf32, #tpu.memory_space<vmem>> -> memref<256x128xf32, #tpu.memory_space<vmem>>
    %dma_wait3A_212 = arith.constant 0 : i32
    %dma_wait3A_213 = tpu.memref_slice %arg4[%add3A_193, %dma_wait3A_212] : memref<106496x128xf32, #tpu.memory_space<hbm>> -> memref<256x128xf32, #tpu.memory_space<hbm>>
    %dma_wait3A_214 = arith.constant 0 : i32
    %dma_wait3A_215 = tpu.memref_slice %arg4[%add3A_193, %dma_wait3A_214] : memref<106496x128xf32, #tpu.memory_space<hbm>> -> memref<256x128xf32, #tpu.memory_space<hbm>>
    %dma_wait3A_216 = arith.constant 0 : i32
    %dma_wait3A_217 = arith.constant 0 : i32
    %dma_wait3A_218 = tpu.memref_slice %arg6[%dma_wait3A_207, %dma_wait3A_216, %dma_wait3A_217] : memref<3x256x128xf32, #tpu.memory_space<vmem>> -> memref<1x256x128xf32, #tpu.memory_space<vmem>>
    %dma_wait3A_219 = tpu.memref_squeeze %dma_wait3A_218 : memref<1x256x128xf32, #tpu.memory_space<vmem>> -> memref<256x128xf32, #tpu.memory_space<vmem>>
    tpu.wait_dma2 semaphore(%arg9 : memref<!tpu.dma_semaphore, #tpu.memory_space<semaphore_mem>>) src(%dma_wait3A_219 : memref<256x128xf32, #tpu.memory_space<vmem>>) dst(%dma_wait3A_215 : memref<256x128xf32, #tpu.memory_space<hbm>>)
    %dma_start3A_220 = arith.constant 0 : i32
    %dma_start3A_221 = arith.constant 0 : i32
    %dma_start3A_222 = arith.constant 0 : i32
    %dma_start3A_223 = tpu.memref_slice %arg6[%dma_start3A_220, %dma_start3A_221, %dma_start3A_222] : memref<3x256x128xf32, #tpu.memory_space<vmem>> -> memref<1x256x128xf32, #tpu.memory_space<vmem>>
    %dma_start3A_224 = tpu.memref_squeeze %dma_start3A_223 : memref<1x256x128xf32, #tpu.memory_space<vmem>> -> memref<256x128xf32, #tpu.memory_space<vmem>>
    %dma_start3A_225 = arith.constant 1536 : i32
    %dma_start3A_226 = tpu.memref_slice %arg5[%dma_start3A_225] : memref<3328xi32, #tpu.memory_space<vmem>> -> memref<256xi32, #tpu.memory_space<vmem>>
    %dma_start3A_227 = arith.constant 0 : i32
    %dma_start3A_228 = arith.constant 0 : i32
    %dma_start3A_229 = tpu.memref_slice %arg7[%dma_start3A_227, %dma_start3A_228] : memref<1000x128xf32, #tpu.memory_space<vmem_shared>> -> memref<1000x128xf32, #tpu.memory_space<vmem_shared>>
    tpu.enqueue_indirect_dma source(%dma_start3A_229 : memref<1000x128xf32, #tpu.memory_space<vmem_shared>>) target(%dma_start3A_224 : memref<256x128xf32, #tpu.memory_space<vmem>>) offsets(%dma_start3A_226 : memref<256xi32, #tpu.memory_space<vmem>>) semaphore(%arg8 : memref<!tpu.dma_semaphore, #tpu.memory_space<semaphore_mem>>)
    %dma_wait3A_230 = arith.constant 1 : i32
    %dma_wait3A_231 = arith.constant 0 : i32
    %dma_wait3A_232 = arith.constant 0 : i32
    %dma_wait3A_233 = tpu.memref_slice %arg6[%dma_wait3A_230, %dma_wait3A_231, %dma_wait3A_232] : memref<3x256x128xf32, #tpu.memory_space<vmem>> -> memref<1x256x128xf32, #tpu.memory_space<vmem>>
    %dma_wait3A_234 = tpu.memref_squeeze %dma_wait3A_233 : memref<1x256x128xf32, #tpu.memory_space<vmem>> -> memref<256x128xf32, #tpu.memory_space<vmem>>
    %dma_wait3A_235 = arith.constant 1024 : i32
    %dma_wait3A_236 = tpu.memref_slice %arg5[%dma_wait3A_235] : memref<3328xi32, #tpu.memory_space<vmem>> -> memref<256xi32, #tpu.memory_space<vmem>>
    %dma_wait3A_237 = arith.constant 0 : i32
    %dma_wait3A_238 = arith.constant 0 : i32
    %dma_wait3A_239 = tpu.memref_slice %arg7[%dma_wait3A_237, %dma_wait3A_238] : memref<1000x128xf32, #tpu.memory_space<vmem_shared>> -> memref<1000x128xf32, #tpu.memory_space<vmem_shared>>
    tpu.wait_indirect_dma semaphore(%arg8 : memref<!tpu.dma_semaphore, #tpu.memory_space<semaphore_mem>>) src(%dma_wait3A_239 : memref<1000x128xf32, #tpu.memory_space<vmem_shared>>) dst(%dma_wait3A_234 : memref<256x128xf32, #tpu.memory_space<vmem>>)
    %add3A_240 = arith.constant 1024 : i32
    %add3A_241 = arith.addi %mul3A_2, %add3A_240 : i32
    %dma_start3A_242 = arith.constant 1 : i32
    %dma_start3A_243 = arith.constant 0 : i32
    %dma_start3A_244 = arith.constant 0 : i32
    %dma_start3A_245 = tpu.memref_slice %arg6[%dma_start3A_242, %dma_start3A_243, %dma_start3A_244] : memref<3x256x128xf32, #tpu.memory_space<vmem>> -> memref<1x256x128xf32, #tpu.memory_space<vmem>>
    %dma_start3A_246 = tpu.memref_squeeze %dma_start3A_245 : memref<1x256x128xf32, #tpu.memory_space<vmem>> -> memref<256x128xf32, #tpu.memory_space<vmem>>
    %dma_start3A_247 = arith.constant 0 : i32
    %dma_start3A_248 = tpu.memref_slice %arg4[%add3A_241, %dma_start3A_247] : memref<106496x128xf32, #tpu.memory_space<hbm>> -> memref<256x128xf32, #tpu.memory_space<hbm>>
    %dma_start3A_249 = arith.constant 0 : i32
    %dma_start3A_250 = tpu.memref_slice %arg4[%add3A_241, %dma_start3A_249] : memref<106496x128xf32, #tpu.memory_space<hbm>> -> memref<256x128xf32, #tpu.memory_space<hbm>>
    %dma_start3A_251 = arith.constant 0 : i32
    %dma_start3A_252 = arith.constant 0 : i32
    %dma_start3A_253 = tpu.memref_slice %arg6[%dma_start3A_242, %dma_start3A_251, %dma_start3A_252] : memref<3x256x128xf32, #tpu.memory_space<vmem>> -> memref<1x256x128xf32, #tpu.memory_space<vmem>>
    %dma_start3A_254 = tpu.memref_squeeze %dma_start3A_253 : memref<1x256x128xf32, #tpu.memory_space<vmem>> -> memref<256x128xf32, #tpu.memory_space<vmem>>
    tpu.enqueue_dma source(%dma_start3A_254 : memref<256x128xf32, #tpu.memory_space<vmem>>) target(%dma_start3A_250 : memref<256x128xf32, #tpu.memory_space<hbm>>) target_semaphore(%arg9 : memref<!tpu.dma_semaphore, #tpu.memory_space<semaphore_mem>>)
    %dma_wait3A_255 = arith.constant 1 : i32
    %dma_wait3A_256 = arith.constant 0 : i32
    %dma_wait3A_257 = arith.constant 0 : i32
    %dma_wait3A_258 = tpu.memref_slice %arg6[%dma_wait3A_255, %dma_wait3A_256, %dma_wait3A_257] : memref<3x256x128xf32, #tpu.memory_space<vmem>> -> memref<1x256x128xf32, #tpu.memory_space<vmem>>
    %dma_wait3A_259 = tpu.memref_squeeze %dma_wait3A_258 : memref<1x256x128xf32, #tpu.memory_space<vmem>> -> memref<256x128xf32, #tpu.memory_space<vmem>>
    %dma_wait3A_260 = arith.constant 0 : i32
    %dma_wait3A_261 = tpu.memref_slice %arg4[%add3A_241, %dma_wait3A_260] : memref<106496x128xf32, #tpu.memory_space<hbm>> -> memref<256x128xf32, #tpu.memory_space<hbm>>
    %dma_wait3A_262 = arith.constant 0 : i32
    %dma_wait3A_263 = tpu.memref_slice %arg4[%add3A_241, %dma_wait3A_262] : memref<106496x128xf32, #tpu.memory_space<hbm>> -> memref<256x128xf32, #tpu.memory_space<hbm>>
    %dma_wait3A_264 = arith.constant 0 : i32
    %dma_wait3A_265 = arith.constant 0 : i32
    %dma_wait3A_266 = tpu.memref_slice %arg6[%dma_wait3A_255, %dma_wait3A_264, %dma_wait3A_265] : memref<3x256x128xf32, #tpu.memory_space<vmem>> -> memref<1x256x128xf32, #tpu.memory_space<vmem>>
    %dma_wait3A_267 = tpu.memref_squeeze %dma_wait3A_266 : memref<1x256x128xf32, #tpu.memory_space<vmem>> -> memref<256x128xf32, #tpu.memory_space<vmem>>
    tpu.wait_dma2 semaphore(%arg9 : memref<!tpu.dma_semaphore, #tpu.memory_space<semaphore_mem>>) src(%dma_wait3A_267 : memref<256x128xf32, #tpu.memory_space<vmem>>) dst(%dma_wait3A_263 : memref<256x128xf32, #tpu.memory_space<hbm>>)
    %dma_start3A_268 = arith.constant 1 : i32
    %dma_start3A_269 = arith.constant 0 : i32
    %dma_start3A_270 = arith.constant 0 : i32
    %dma_start3A_271 = tpu.memref_slice %arg6[%dma_start3A_268, %dma_start3A_269, %dma_start3A_270] : memref<3x256x128xf32, #tpu.memory_space<vmem>> -> memref<1x256x128xf32, #tpu.memory_space<vmem>>
    %dma_start3A_272 = tpu.memref_squeeze %dma_start3A_271 : memref<1x256x128xf32, #tpu.memory_space<vmem>> -> memref<256x128xf32, #tpu.memory_space<vmem>>
    %dma_start3A_273 = arith.constant 1792 : i32
    %dma_start3A_274 = tpu.memref_slice %arg5[%dma_start3A_273] : memref<3328xi32, #tpu.memory_space<vmem>> -> memref<256xi32, #tpu.memory_space<vmem>>
    %dma_start3A_275 = arith.constant 0 : i32
    %dma_start3A_276 = arith.constant 0 : i32
    %dma_start3A_277 = tpu.memref_slice %arg7[%dma_start3A_275, %dma_start3A_276] : memref<1000x128xf32, #tpu.memory_space<vmem_shared>> -> memref<1000x128xf32, #tpu.memory_space<vmem_shared>>
    tpu.enqueue_indirect_dma source(%dma_start3A_277 : memref<1000x128xf32, #tpu.memory_space<vmem_shared>>) target(%dma_start3A_272 : memref<256x128xf32, #tpu.memory_space<vmem>>) offsets(%dma_start3A_274 : memref<256xi32, #tpu.memory_space<vmem>>) semaphore(%arg8 : memref<!tpu.dma_semaphore, #tpu.memory_space<semaphore_mem>>)
    %dma_wait3A_278 = arith.constant 2 : i32
    %dma_wait3A_279 = arith.constant 0 : i32
    %dma_wait3A_280 = arith.constant 0 : i32
    %dma_wait3A_281 = tpu.memref_slice %arg6[%dma_wait3A_278, %dma_wait3A_279, %dma_wait3A_280] : memref<3x256x128xf32, #tpu.memory_space<vmem>> -> memref<1x256x128xf32, #tpu.memory_space<vmem>>
    %dma_wait3A_282 = tpu.memref_squeeze %dma_wait3A_281 : memref<1x256x128xf32, #tpu.memory_space<vmem>> -> memref<256x128xf32, #tpu.memory_space<vmem>>
    %dma_wait3A_283 = arith.constant 1280 : i32
    %dma_wait3A_284 = tpu.memref_slice %arg5[%dma_wait3A_283] : memref<3328xi32, #tpu.memory_space<vmem>> -> memref<256xi32, #tpu.memory_space<vmem>>
    %dma_wait3A_285 = arith.constant 0 : i32
    %dma_wait3A_286 = arith.constant 0 : i32
    %dma_wait3A_287 = tpu.memref_slice %arg7[%dma_wait3A_285, %dma_wait3A_286] : memref<1000x128xf32, #tpu.memory_space<vmem_shared>> -> memref<1000x128xf32, #tpu.memory_space<vmem_shared>>
    tpu.wait_indirect_dma semaphore(%arg8 : memref<!tpu.dma_semaphore, #tpu.memory_space<semaphore_mem>>) src(%dma_wait3A_287 : memref<1000x128xf32, #tpu.memory_space<vmem_shared>>) dst(%dma_wait3A_282 : memref<256x128xf32, #tpu.memory_space<vmem>>)
    %add3A_288 = arith.constant 1280 : i32
    %add3A_289 = arith.addi %mul3A_2, %add3A_288 : i32
    %dma_start3A_290 = arith.constant 2 : i32
    %dma_start3A_291 = arith.constant 0 : i32
    %dma_start3A_292 = arith.constant 0 : i32
    %dma_start3A_293 = tpu.memref_slice %arg6[%dma_start3A_290, %dma_start3A_291, %dma_start3A_292] : memref<3x256x128xf32, #tpu.memory_space<vmem>> -> memref<1x256x128xf32, #tpu.memory_space<vmem>>
    %dma_start3A_294 = tpu.memref_squeeze %dma_start3A_293 : memref<1x256x128xf32, #tpu.memory_space<vmem>> -> memref<256x128xf32, #tpu.memory_space<vmem>>
    %dma_start3A_295 = arith.constant 0 : i32
    %dma_start3A_296 = tpu.memref_slice %arg4[%add3A_289, %dma_start3A_295] : memref<106496x128xf32, #tpu.memory_space<hbm>> -> memref<256x128xf32, #tpu.memory_space<hbm>>
    %dma_start3A_297 = arith.constant 0 : i32
    %dma_start3A_298 = tpu.memref_slice %arg4[%add3A_289, %dma_start3A_297] : memref<106496x128xf32, #tpu.memory_space<hbm>> -> memref<256x128xf32, #tpu.memory_space<hbm>>
    %dma_start3A_299 = arith.constant 0 : i32
    %dma_start3A_300 = arith.constant 0 : i32
    %dma_start3A_301 = tpu.memref_slice %arg6[%dma_start3A_290, %dma_start3A_299, %dma_start3A_300] : memref<3x256x128xf32, #tpu.memory_space<vmem>> -> memref<1x256x128xf32, #tpu.memory_space<vmem>>
    %dma_start3A_302 = tpu.memref_squeeze %dma_start3A_301 : memref<1x256x128xf32, #tpu.memory_space<vmem>> -> memref<256x128xf32, #tpu.memory_space<vmem>>
    tpu.enqueue_dma source(%dma_start3A_302 : memref<256x128xf32, #tpu.memory_space<vmem>>) target(%dma_start3A_298 : memref<256x128xf32, #tpu.memory_space<hbm>>) target_semaphore(%arg9 : memref<!tpu.dma_semaphore, #tpu.memory_space<semaphore_mem>>)
    %dma_wait3A_303 = arith.constant 2 : i32
    %dma_wait3A_304 = arith.constant 0 : i32
    %dma_wait3A_305 = arith.constant 0 : i32
    %dma_wait3A_306 = tpu.memref_slice %arg6[%dma_wait3A_303, %dma_wait3A_304, %dma_wait3A_305] : memref<3x256x128xf32, #tpu.memory_space<vmem>> -> memref<1x256x128xf32, #tpu.memory_space<vmem>>
    %dma_wait3A_307 = tpu.memref_squeeze %dma_wait3A_306 : memref<1x256x128xf32, #tpu.memory_space<vmem>> -> memref<256x128xf32, #tpu.memory_space<vmem>>
    %dma_wait3A_308 = arith.constant 0 : i32
    %dma_wait3A_309 = tpu.memref_slice %arg4[%add3A_289, %dma_wait3A_308] : memref<106496x128xf32, #tpu.memory_space<hbm>> -> memref<256x128xf32, #tpu.memory_space<hbm>>
    %dma_wait3A_310 = arith.constant 0 : i32
    %dma_wait3A_311 = tpu.memref_slice %arg4[%add3A_289, %dma_wait3A_310] : memref<106496x128xf32, #tpu.memory_space<hbm>> -> memref<256x128xf32, #tpu.memory_space<hbm>>
    %dma_wait3A_312 = arith.constant 0 : i32
    %dma_wait3A_313 = arith.constant 0 : i32
    %dma_wait3A_314 = tpu.memref_slice %arg6[%dma_wait3A_303, %dma_wait3A_312, %dma_wait3A_313] : memref<3x256x128xf32, #tpu.memory_space<vmem>> -> memref<1x256x128xf32, #tpu.memory_space<vmem>>
    %dma_wait3A_315 = tpu.memref_squeeze %dma_wait3A_314 : memref<1x256x128xf32, #tpu.memory_space<vmem>> -> memref<256x128xf32, #tpu.memory_space<vmem>>
    tpu.wait_dma2 semaphore(%arg9 : memref<!tpu.dma_semaphore, #tpu.memory_space<semaphore_mem>>) src(%dma_wait3A_315 : memref<256x128xf32, #tpu.memory_space<vmem>>) dst(%dma_wait3A_311 : memref<256x128xf32, #tpu.memory_space<hbm>>)
    %dma_start3A_316 = arith.constant 2 : i32
    %dma_start3A_317 = arith.constant 0 : i32
    %dma_start3A_318 = arith.constant 0 : i32
    %dma_start3A_319 = tpu.memref_slice %arg6[%dma_start3A_316, %dma_start3A_317, %dma_start3A_318] : memref<3x256x128xf32, #tpu.memory_space<vmem>> -> memref<1x256x128xf32, #tpu.memory_space<vmem>>
    %dma_start3A_320 = tpu.memref_squeeze %dma_start3A_319 : memref<1x256x128xf32, #tpu.memory_space<vmem>> -> memref<256x128xf32, #tpu.memory_space<vmem>>
    %dma_start3A_321 = arith.constant 2048 : i32
    %dma_start3A_322 = tpu.memref_slice %arg5[%dma_start3A_321] : memref<3328xi32, #tpu.memory_space<vmem>> -> memref<256xi32, #tpu.memory_space<vmem>>
    %dma_start3A_323 = arith.constant 0 : i32
    %dma_start3A_324 = arith.constant 0 : i32
    %dma_start3A_325 = tpu.memref_slice %arg7[%dma_start3A_323, %dma_start3A_324] : memref<1000x128xf32, #tpu.memory_space<vmem_shared>> -> memref<1000x128xf32, #tpu.memory_space<vmem_shared>>
    tpu.enqueue_indirect_dma source(%dma_start3A_325 : memref<1000x128xf32, #tpu.memory_space<vmem_shared>>) target(%dma_start3A_320 : memref<256x128xf32, #tpu.memory_space<vmem>>) offsets(%dma_start3A_322 : memref<256xi32, #tpu.memory_space<vmem>>) semaphore(%arg8 : memref<!tpu.dma_semaphore, #tpu.memory_space<semaphore_mem>>)
    %dma_wait3A_326 = arith.constant 0 : i32
    %dma_wait3A_327 = arith.constant 0 : i32
    %dma_wait3A_328 = arith.constant 0 : i32
    %dma_wait3A_329 = tpu.memref_slice %arg6[%dma_wait3A_326, %dma_wait3A_327, %dma_wait3A_328] : memref<3x256x128xf32, #tpu.memory_space<vmem>> -> memref<1x256x128xf32, #tpu.memory_space<vmem>>
    %dma_wait3A_330 = tpu.memref_squeeze %dma_wait3A_329 : memref<1x256x128xf32, #tpu.memory_space<vmem>> -> memref<256x128xf32, #tpu.memory_space<vmem>>
    %dma_wait3A_331 = arith.constant 1536 : i32
    %dma_wait3A_332 = tpu.memref_slice %arg5[%dma_wait3A_331] : memref<3328xi32, #tpu.memory_space<vmem>> -> memref<256xi32, #tpu.memory_space<vmem>>
    %dma_wait3A_333 = arith.constant 0 : i32
    %dma_wait3A_334 = arith.constant 0 : i32
    %dma_wait3A_335 = tpu.memref_slice %arg7[%dma_wait3A_333, %dma_wait3A_334] : memref<1000x128xf32, #tpu.memory_space<vmem_shared>> -> memref<1000x128xf32, #tpu.memory_space<vmem_shared>>
    tpu.wait_indirect_dma semaphore(%arg8 : memref<!tpu.dma_semaphore, #tpu.memory_space<semaphore_mem>>) src(%dma_wait3A_335 : memref<1000x128xf32, #tpu.memory_space<vmem_shared>>) dst(%dma_wait3A_330 : memref<256x128xf32, #tpu.memory_space<vmem>>)
    %add3A_336 = arith.constant 1536 : i32
    %add3A_337 = arith.addi %mul3A_2, %add3A_336 : i32
    %dma_start3A_338 = arith.constant 0 : i32
    %dma_start3A_339 = arith.constant 0 : i32
    %dma_start3A_340 = arith.constant 0 : i32
    %dma_start3A_341 = tpu.memref_slice %arg6[%dma_start3A_338, %dma_start3A_339, %dma_start3A_340] : memref<3x256x128xf32, #tpu.memory_space<vmem>> -> memref<1x256x128xf32, #tpu.memory_space<vmem>>
    %dma_start3A_342 = tpu.memref_squeeze %dma_start3A_341 : memref<1x256x128xf32, #tpu.memory_space<vmem>> -> memref<256x128xf32, #tpu.memory_space<vmem>>
    %dma_start3A_343 = arith.constant 0 : i32
    %dma_start3A_344 = tpu.memref_slice %arg4[%add3A_337, %dma_start3A_343] : memref<106496x128xf32, #tpu.memory_space<hbm>> -> memref<256x128xf32, #tpu.memory_space<hbm>>
    %dma_start3A_345 = arith.constant 0 : i32
    %dma_start3A_346 = tpu.memref_slice %arg4[%add3A_337, %dma_start3A_345] : memref<106496x128xf32, #tpu.memory_space<hbm>> -> memref<256x128xf32, #tpu.memory_space<hbm>>
    %dma_start3A_347 = arith.constant 0 : i32
    %dma_start3A_348 = arith.constant 0 : i32
    %dma_start3A_349 = tpu.memref_slice %arg6[%dma_start3A_338, %dma_start3A_347, %dma_start3A_348] : memref<3x256x128xf32, #tpu.memory_space<vmem>> -> memref<1x256x128xf32, #tpu.memory_space<vmem>>
    %dma_start3A_350 = tpu.memref_squeeze %dma_start3A_349 : memref<1x256x128xf32, #tpu.memory_space<vmem>> -> memref<256x128xf32, #tpu.memory_space<vmem>>
    tpu.enqueue_dma source(%dma_start3A_350 : memref<256x128xf32, #tpu.memory_space<vmem>>) target(%dma_start3A_346 : memref<256x128xf32, #tpu.memory_space<hbm>>) target_semaphore(%arg9 : memref<!tpu.dma_semaphore, #tpu.memory_space<semaphore_mem>>)
    %dma_wait3A_351 = arith.constant 0 : i32
    %dma_wait3A_352 = arith.constant 0 : i32
    %dma_wait3A_353 = arith.constant 0 : i32
    %dma_wait3A_354 = tpu.memref_slice %arg6[%dma_wait3A_351, %dma_wait3A_352, %dma_wait3A_353] : memref<3x256x128xf32, #tpu.memory_space<vmem>> -> memref<1x256x128xf32, #tpu.memory_space<vmem>>
    %dma_wait3A_355 = tpu.memref_squeeze %dma_wait3A_354 : memref<1x256x128xf32, #tpu.memory_space<vmem>> -> memref<256x128xf32, #tpu.memory_space<vmem>>
    %dma_wait3A_356 = arith.constant 0 : i32
    %dma_wait3A_357 = tpu.memref_slice %arg4[%add3A_337, %dma_wait3A_356] : memref<106496x128xf32, #tpu.memory_space<hbm>> -> memref<256x128xf32, #tpu.memory_space<hbm>>
    %dma_wait3A_358 = arith.constant 0 : i32
    %dma_wait3A_359 = tpu.memref_slice %arg4[%add3A_337, %dma_wait3A_358] : memref<106496x128xf32, #tpu.memory_space<hbm>> -> memref<256x128xf32, #tpu.memory_space<hbm>>
    %dma_wait3A_360 = arith.constant 0 : i32
    %dma_wait3A_361 = arith.constant 0 : i32
    %dma_wait3A_362 = tpu.memref_slice %arg6[%dma_wait3A_351, %dma_wait3A_360, %dma_wait3A_361] : memref<3x256x128xf32, #tpu.memory_space<vmem>> -> memref<1x256x128xf32, #tpu.memory_space<vmem>>
    %dma_wait3A_363 = tpu.memref_squeeze %dma_wait3A_362 : memref<1x256x128xf32, #tpu.memory_space<vmem>> -> memref<256x128xf32, #tpu.memory_space<vmem>>
    tpu.wait_dma2 semaphore(%arg9 : memref<!tpu.dma_semaphore, #tpu.memory_space<semaphore_mem>>) src(%dma_wait3A_363 : memref<256x128xf32, #tpu.memory_space<vmem>>) dst(%dma_wait3A_359 : memref<256x128xf32, #tpu.memory_space<hbm>>)
    %dma_start3A_364 = arith.constant 0 : i32
    %dma_start3A_365 = arith.constant 0 : i32
    %dma_start3A_366 = arith.constant 0 : i32
    %dma_start3A_367 = tpu.memref_slice %arg6[%dma_start3A_364, %dma_start3A_365, %dma_start3A_366] : memref<3x256x128xf32, #tpu.memory_space<vmem>> -> memref<1x256x128xf32, #tpu.memory_space<vmem>>
    %dma_start3A_368 = tpu.memref_squeeze %dma_start3A_367 : memref<1x256x128xf32, #tpu.memory_space<vmem>> -> memref<256x128xf32, #tpu.memory_space<vmem>>
    %dma_start3A_369 = arith.constant 2304 : i32
    %dma_start3A_370 = tpu.memref_slice %arg5[%dma_start3A_369] : memref<3328xi32, #tpu.memory_space<vmem>> -> memref<256xi32, #tpu.memory_space<vmem>>
    %dma_start3A_371 = arith.constant 0 : i32
    %dma_start3A_372 = arith.constant 0 : i32
    %dma_start3A_373 = tpu.memref_slice %arg7[%dma_start3A_371, %dma_start3A_372] : memref<1000x128xf32, #tpu.memory_space<vmem_shared>> -> memref<1000x128xf32, #tpu.memory_space<vmem_shared>>
    tpu.enqueue_indirect_dma source(%dma_start3A_373 : memref<1000x128xf32, #tpu.memory_space<vmem_shared>>) target(%dma_start3A_368 : memref<256x128xf32, #tpu.memory_space<vmem>>) offsets(%dma_start3A_370 : memref<256xi32, #tpu.memory_space<vmem>>) semaphore(%arg8 : memref<!tpu.dma_semaphore, #tpu.memory_space<semaphore_mem>>)
    %dma_wait3A_374 = arith.constant 1 : i32
    %dma_wait3A_375 = arith.constant 0 : i32
    %dma_wait3A_376 = arith.constant 0 : i32
    %dma_wait3A_377 = tpu.memref_slice %arg6[%dma_wait3A_374, %dma_wait3A_375, %dma_wait3A_376] : memref<3x256x128xf32, #tpu.memory_space<vmem>> -> memref<1x256x128xf32, #tpu.memory_space<vmem>>
    %dma_wait3A_378 = tpu.memref_squeeze %dma_wait3A_377 : memref<1x256x128xf32, #tpu.memory_space<vmem>> -> memref<256x128xf32, #tpu.memory_space<vmem>>
    %dma_wait3A_379 = arith.constant 1792 : i32
    %dma_wait3A_380 = tpu.memref_slice %arg5[%dma_wait3A_379] : memref<3328xi32, #tpu.memory_space<vmem>> -> memref<256xi32, #tpu.memory_space<vmem>>
    %dma_wait3A_381 = arith.constant 0 : i32
    %dma_wait3A_382 = arith.constant 0 : i32
    %dma_wait3A_383 = tpu.memref_slice %arg7[%dma_wait3A_381, %dma_wait3A_382] : memref<1000x128xf32, #tpu.memory_space<vmem_shared>> -> memref<1000x128xf32, #tpu.memory_space<vmem_shared>>
    tpu.wait_indirect_dma semaphore(%arg8 : memref<!tpu.dma_semaphore, #tpu.memory_space<semaphore_mem>>) src(%dma_wait3A_383 : memref<1000x128xf32, #tpu.memory_space<vmem_shared>>) dst(%dma_wait3A_378 : memref<256x128xf32, #tpu.memory_space<vmem>>)
    %add3A_384 = arith.constant 1792 : i32
    %add3A_385 = arith.addi %mul3A_2, %add3A_384 : i32
    %dma_start3A_386 = arith.constant 1 : i32
    %dma_start3A_387 = arith.constant 0 : i32
    %dma_start3A_388 = arith.constant 0 : i32
    %dma_start3A_389 = tpu.memref_slice %arg6[%dma_start3A_386, %dma_start3A_387, %dma_start3A_388] : memref<3x256x128xf32, #tpu.memory_space<vmem>> -> memref<1x256x128xf32, #tpu.memory_space<vmem>>
    %dma_start3A_390 = tpu.memref_squeeze %dma_start3A_389 : memref<1x256x128xf32, #tpu.memory_space<vmem>> -> memref<256x128xf32, #tpu.memory_space<vmem>>
    %dma_start3A_391 = arith.constant 0 : i32
    %dma_start3A_392 = tpu.memref_slice %arg4[%add3A_385, %dma_start3A_391] : memref<106496x128xf32, #tpu.memory_space<hbm>> -> memref<256x128xf32, #tpu.memory_space<hbm>>
    %dma_start3A_393 = arith.constant 0 : i32
    %dma_start3A_394 = tpu.memref_slice %arg4[%add3A_385, %dma_start3A_393] : memref<106496x128xf32, #tpu.memory_space<hbm>> -> memref<256x128xf32, #tpu.memory_space<hbm>>
    %dma_start3A_395 = arith.constant 0 : i32
    %dma_start3A_396 = arith.constant 0 : i32
    %dma_start3A_397 = tpu.memref_slice %arg6[%dma_start3A_386, %dma_start3A_395, %dma_start3A_396] : memref<3x256x128xf32, #tpu.memory_space<vmem>> -> memref<1x256x128xf32, #tpu.memory_space<vmem>>
    %dma_start3A_398 = tpu.memref_squeeze %dma_start3A_397 : memref<1x256x128xf32, #tpu.memory_space<vmem>> -> memref<256x128xf32, #tpu.memory_space<vmem>>
    tpu.enqueue_dma source(%dma_start3A_398 : memref<256x128xf32, #tpu.memory_space<vmem>>) target(%dma_start3A_394 : memref<256x128xf32, #tpu.memory_space<hbm>>) target_semaphore(%arg9 : memref<!tpu.dma_semaphore, #tpu.memory_space<semaphore_mem>>)
    %dma_wait3A_399 = arith.constant 1 : i32
    %dma_wait3A_400 = arith.constant 0 : i32
    %dma_wait3A_401 = arith.constant 0 : i32
    %dma_wait3A_402 = tpu.memref_slice %arg6[%dma_wait3A_399, %dma_wait3A_400, %dma_wait3A_401] : memref<3x256x128xf32, #tpu.memory_space<vmem>> -> memref<1x256x128xf32, #tpu.memory_space<vmem>>
    %dma_wait3A_403 = tpu.memref_squeeze %dma_wait3A_402 : memref<1x256x128xf32, #tpu.memory_space<vmem>> -> memref<256x128xf32, #tpu.memory_space<vmem>>
    %dma_wait3A_404 = arith.constant 0 : i32
    %dma_wait3A_405 = tpu.memref_slice %arg4[%add3A_385, %dma_wait3A_404] : memref<106496x128xf32, #tpu.memory_space<hbm>> -> memref<256x128xf32, #tpu.memory_space<hbm>>
    %dma_wait3A_406 = arith.constant 0 : i32
    %dma_wait3A_407 = tpu.memref_slice %arg4[%add3A_385, %dma_wait3A_406] : memref<106496x128xf32, #tpu.memory_space<hbm>> -> memref<256x128xf32, #tpu.memory_space<hbm>>
    %dma_wait3A_408 = arith.constant 0 : i32
    %dma_wait3A_409 = arith.constant 0 : i32
    %dma_wait3A_410 = tpu.memref_slice %arg6[%dma_wait3A_399, %dma_wait3A_408, %dma_wait3A_409] : memref<3x256x128xf32, #tpu.memory_space<vmem>> -> memref<1x256x128xf32, #tpu.memory_space<vmem>>
    %dma_wait3A_411 = tpu.memref_squeeze %dma_wait3A_410 : memref<1x256x128xf32, #tpu.memory_space<vmem>> -> memref<256x128xf32, #tpu.memory_space<vmem>>
    tpu.wait_dma2 semaphore(%arg9 : memref<!tpu.dma_semaphore, #tpu.memory_space<semaphore_mem>>) src(%dma_wait3A_411 : memref<256x128xf32, #tpu.memory_space<vmem>>) dst(%dma_wait3A_407 : memref<256x128xf32, #tpu.memory_space<hbm>>)
    %dma_start3A_412 = arith.constant 1 : i32
    %dma_start3A_413 = arith.constant 0 : i32
    %dma_start3A_414 = arith.constant 0 : i32
    %dma_start3A_415 = tpu.memref_slice %arg6[%dma_start3A_412, %dma_start3A_413, %dma_start3A_414] : memref<3x256x128xf32, #tpu.memory_space<vmem>> -> memref<1x256x128xf32, #tpu.memory_space<vmem>>
    %dma_start3A_416 = tpu.memref_squeeze %dma_start3A_415 : memref<1x256x128xf32, #tpu.memory_space<vmem>> -> memref<256x128xf32, #tpu.memory_space<vmem>>
    %dma_start3A_417 = arith.constant 2560 : i32
    %dma_start3A_418 = tpu.memref_slice %arg5[%dma_start3A_417] : memref<3328xi32, #tpu.memory_space<vmem>> -> memref<256xi32, #tpu.memory_space<vmem>>
    %dma_start3A_419 = arith.constant 0 : i32
    %dma_start3A_420 = arith.constant 0 : i32
    %dma_start3A_421 = tpu.memref_slice %arg7[%dma_start3A_419, %dma_start3A_420] : memref<1000x128xf32, #tpu.memory_space<vmem_shared>> -> memref<1000x128xf32, #tpu.memory_space<vmem_shared>>
    tpu.enqueue_indirect_dma source(%dma_start3A_421 : memref<1000x128xf32, #tpu.memory_space<vmem_shared>>) target(%dma_start3A_416 : memref<256x128xf32, #tpu.memory_space<vmem>>) offsets(%dma_start3A_418 : memref<256xi32, #tpu.memory_space<vmem>>) semaphore(%arg8 : memref<!tpu.dma_semaphore, #tpu.memory_space<semaphore_mem>>)
    %dma_wait3A_422 = arith.constant 2 : i32
    %dma_wait3A_423 = arith.constant 0 : i32
    %dma_wait3A_424 = arith.constant 0 : i32
    %dma_wait3A_425 = tpu.memref_slice %arg6[%dma_wait3A_422, %dma_wait3A_423, %dma_wait3A_424] : memref<3x256x128xf32, #tpu.memory_space<vmem>> -> memref<1x256x128xf32, #tpu.memory_space<vmem>>
    %dma_wait3A_426 = tpu.memref_squeeze %dma_wait3A_425 : memref<1x256x128xf32, #tpu.memory_space<vmem>> -> memref<256x128xf32, #tpu.memory_space<vmem>>
    %dma_wait3A_427 = arith.constant 2048 : i32
    %dma_wait3A_428 = tpu.memref_slice %arg5[%dma_wait3A_427] : memref<3328xi32, #tpu.memory_space<vmem>> -> memref<256xi32, #tpu.memory_space<vmem>>
    %dma_wait3A_429 = arith.constant 0 : i32
    %dma_wait3A_430 = arith.constant 0 : i32
    %dma_wait3A_431 = tpu.memref_slice %arg7[%dma_wait3A_429, %dma_wait3A_430] : memref<1000x128xf32, #tpu.memory_space<vmem_shared>> -> memref<1000x128xf32, #tpu.memory_space<vmem_shared>>
    tpu.wait_indirect_dma semaphore(%arg8 : memref<!tpu.dma_semaphore, #tpu.memory_space<semaphore_mem>>) src(%dma_wait3A_431 : memref<1000x128xf32, #tpu.memory_space<vmem_shared>>) dst(%dma_wait3A_426 : memref<256x128xf32, #tpu.memory_space<vmem>>)
    %add3A_432 = arith.constant 2048 : i32
    %add3A_433 = arith.addi %mul3A_2, %add3A_432 : i32
    %dma_start3A_434 = arith.constant 2 : i32
    %dma_start3A_435 = arith.constant 0 : i32
    %dma_start3A_436 = arith.constant 0 : i32
    %dma_start3A_437 = tpu.memref_slice %arg6[%dma_start3A_434, %dma_start3A_435, %dma_start3A_436] : memref<3x256x128xf32, #tpu.memory_space<vmem>> -> memref<1x256x128xf32, #tpu.memory_space<vmem>>
    %dma_start3A_438 = tpu.memref_squeeze %dma_start3A_437 : memref<1x256x128xf32, #tpu.memory_space<vmem>> -> memref<256x128xf32, #tpu.memory_space<vmem>>
    %dma_start3A_439 = arith.constant 0 : i32
    %dma_start3A_440 = tpu.memref_slice %arg4[%add3A_433, %dma_start3A_439] : memref<106496x128xf32, #tpu.memory_space<hbm>> -> memref<256x128xf32, #tpu.memory_space<hbm>>
    %dma_start3A_441 = arith.constant 0 : i32
    %dma_start3A_442 = tpu.memref_slice %arg4[%add3A_433, %dma_start3A_441] : memref<106496x128xf32, #tpu.memory_space<hbm>> -> memref<256x128xf32, #tpu.memory_space<hbm>>
    %dma_start3A_443 = arith.constant 0 : i32
    %dma_start3A_444 = arith.constant 0 : i32
    %dma_start3A_445 = tpu.memref_slice %arg6[%dma_start3A_434, %dma_start3A_443, %dma_start3A_444] : memref<3x256x128xf32, #tpu.memory_space<vmem>> -> memref<1x256x128xf32, #tpu.memory_space<vmem>>
    %dma_start3A_446 = tpu.memref_squeeze %dma_start3A_445 : memref<1x256x128xf32, #tpu.memory_space<vmem>> -> memref<256x128xf32, #tpu.memory_space<vmem>>
    tpu.enqueue_dma source(%dma_start3A_446 : memref<256x128xf32, #tpu.memory_space<vmem>>) target(%dma_start3A_442 : memref<256x128xf32, #tpu.memory_space<hbm>>) target_semaphore(%arg9 : memref<!tpu.dma_semaphore, #tpu.memory_space<semaphore_mem>>)
    %dma_wait3A_447 = arith.constant 2 : i32
    %dma_wait3A_448 = arith.constant 0 : i32
    %dma_wait3A_449 = arith.constant 0 : i32
    %dma_wait3A_450 = tpu.memref_slice %arg6[%dma_wait3A_447, %dma_wait3A_448, %dma_wait3A_449] : memref<3x256x128xf32, #tpu.memory_space<vmem>> -> memref<1x256x128xf32, #tpu.memory_space<vmem>>
    %dma_wait3A_451 = tpu.memref_squeeze %dma_wait3A_450 : memref<1x256x128xf32, #tpu.memory_space<vmem>> -> memref<256x128xf32, #tpu.memory_space<vmem>>
    %dma_wait3A_452 = arith.constant 0 : i32
    %dma_wait3A_453 = tpu.memref_slice %arg4[%add3A_433, %dma_wait3A_452] : memref<106496x128xf32, #tpu.memory_space<hbm>> -> memref<256x128xf32, #tpu.memory_space<hbm>>
    %dma_wait3A_454 = arith.constant 0 : i32
    %dma_wait3A_455 = tpu.memref_slice %arg4[%add3A_433, %dma_wait3A_454] : memref<106496x128xf32, #tpu.memory_space<hbm>> -> memref<256x128xf32, #tpu.memory_space<hbm>>
    %dma_wait3A_456 = arith.constant 0 : i32
    %dma_wait3A_457 = arith.constant 0 : i32
    %dma_wait3A_458 = tpu.memref_slice %arg6[%dma_wait3A_447, %dma_wait3A_456, %dma_wait3A_457] : memref<3x256x128xf32, #tpu.memory_space<vmem>> -> memref<1x256x128xf32, #tpu.memory_space<vmem>>
    %dma_wait3A_459 = tpu.memref_squeeze %dma_wait3A_458 : memref<1x256x128xf32, #tpu.memory_space<vmem>> -> memref<256x128xf32, #tpu.memory_space<vmem>>
    tpu.wait_dma2 semaphore(%arg9 : memref<!tpu.dma_semaphore, #tpu.memory_space<semaphore_mem>>) src(%dma_wait3A_459 : memref<256x128xf32, #tpu.memory_space<vmem>>) dst(%dma_wait3A_455 : memref<256x128xf32, #tpu.memory_space<hbm>>)
    %dma_start3A_460 = arith.constant 2 : i32
    %dma_start3A_461 = arith.constant 0 : i32
    %dma_start3A_462 = arith.constant 0 : i32
    %dma_start3A_463 = tpu.memref_slice %arg6[%dma_start3A_460, %dma_start3A_461, %dma_start3A_462] : memref<3x256x128xf32, #tpu.memory_space<vmem>> -> memref<1x256x128xf32, #tpu.memory_space<vmem>>
    %dma_start3A_464 = tpu.memref_squeeze %dma_start3A_463 : memref<1x256x128xf32, #tpu.memory_space<vmem>> -> memref<256x128xf32, #tpu.memory_space<vmem>>
    %dma_start3A_465 = arith.constant 2816 : i32
    %dma_start3A_466 = tpu.memref_slice %arg5[%dma_start3A_465] : memref<3328xi32, #tpu.memory_space<vmem>> -> memref<256xi32, #tpu.memory_space<vmem>>
    %dma_start3A_467 = arith.constant 0 : i32
    %dma_start3A_468 = arith.constant 0 : i32
    %dma_start3A_469 = tpu.memref_slice %arg7[%dma_start3A_467, %dma_start3A_468] : memref<1000x128xf32, #tpu.memory_space<vmem_shared>> -> memref<1000x128xf32, #tpu.memory_space<vmem_shared>>
    tpu.enqueue_indirect_dma source(%dma_start3A_469 : memref<1000x128xf32, #tpu.memory_space<vmem_shared>>) target(%dma_start3A_464 : memref<256x128xf32, #tpu.memory_space<vmem>>) offsets(%dma_start3A_466 : memref<256xi32, #tpu.memory_space<vmem>>) semaphore(%arg8 : memref<!tpu.dma_semaphore, #tpu.memory_space<semaphore_mem>>)
    %dma_wait3A_470 = arith.constant 0 : i32
    %dma_wait3A_471 = arith.constant 0 : i32
    %dma_wait3A_472 = arith.constant 0 : i32
    %dma_wait3A_473 = tpu.memref_slice %arg6[%dma_wait3A_470, %dma_wait3A_471, %dma_wait3A_472] : memref<3x256x128xf32, #tpu.memory_space<vmem>> -> memref<1x256x128xf32, #tpu.memory_space<vmem>>
    %dma_wait3A_474 = tpu.memref_squeeze %dma_wait3A_473 : memref<1x256x128xf32, #tpu.memory_space<vmem>> -> memref<256x128xf32, #tpu.memory_space<vmem>>
    %dma_wait3A_475 = arith.constant 2304 : i32
    %dma_wait3A_476 = tpu.memref_slice %arg5[%dma_wait3A_475] : memref<3328xi32, #tpu.memory_space<vmem>> -> memref<256xi32, #tpu.memory_space<vmem>>
    %dma_wait3A_477 = arith.constant 0 : i32
    %dma_wait3A_478 = arith.constant 0 : i32
    %dma_wait3A_479 = tpu.memref_slice %arg7[%dma_wait3A_477, %dma_wait3A_478] : memref<1000x128xf32, #tpu.memory_space<vmem_shared>> -> memref<1000x128xf32, #tpu.memory_space<vmem_shared>>
    tpu.wait_indirect_dma semaphore(%arg8 : memref<!tpu.dma_semaphore, #tpu.memory_space<semaphore_mem>>) src(%dma_wait3A_479 : memref<1000x128xf32, #tpu.memory_space<vmem_shared>>) dst(%dma_wait3A_474 : memref<256x128xf32, #tpu.memory_space<vmem>>)
    %add3A_480 = arith.constant 2304 : i32
    %add3A_481 = arith.addi %mul3A_2, %add3A_480 : i32
    %dma_start3A_482 = arith.constant 0 : i32
    %dma_start3A_483 = arith.constant 0 : i32
    %dma_start3A_484 = arith.constant 0 : i32
    %dma_start3A_485 = tpu.memref_slice %arg6[%dma_start3A_482, %dma_start3A_483, %dma_start3A_484] : memref<3x256x128xf32, #tpu.memory_space<vmem>> -> memref<1x256x128xf32, #tpu.memory_space<vmem>>
    %dma_start3A_486 = tpu.memref_squeeze %dma_start3A_485 : memref<1x256x128xf32, #tpu.memory_space<vmem>> -> memref<256x128xf32, #tpu.memory_space<vmem>>
    %dma_start3A_487 = arith.constant 0 : i32
    %dma_start3A_488 = tpu.memref_slice %arg4[%add3A_481, %dma_start3A_487] : memref<106496x128xf32, #tpu.memory_space<hbm>> -> memref<256x128xf32, #tpu.memory_space<hbm>>
    %dma_start3A_489 = arith.constant 0 : i32
    %dma_start3A_490 = tpu.memref_slice %arg4[%add3A_481, %dma_start3A_489] : memref<106496x128xf32, #tpu.memory_space<hbm>> -> memref<256x128xf32, #tpu.memory_space<hbm>>
    %dma_start3A_491 = arith.constant 0 : i32
    %dma_start3A_492 = arith.constant 0 : i32
    %dma_start3A_493 = tpu.memref_slice %arg6[%dma_start3A_482, %dma_start3A_491, %dma_start3A_492] : memref<3x256x128xf32, #tpu.memory_space<vmem>> -> memref<1x256x128xf32, #tpu.memory_space<vmem>>
    %dma_start3A_494 = tpu.memref_squeeze %dma_start3A_493 : memref<1x256x128xf32, #tpu.memory_space<vmem>> -> memref<256x128xf32, #tpu.memory_space<vmem>>
    tpu.enqueue_dma source(%dma_start3A_494 : memref<256x128xf32, #tpu.memory_space<vmem>>) target(%dma_start3A_490 : memref<256x128xf32, #tpu.memory_space<hbm>>) target_semaphore(%arg9 : memref<!tpu.dma_semaphore, #tpu.memory_space<semaphore_mem>>)
    %dma_wait3A_495 = arith.constant 0 : i32
    %dma_wait3A_496 = arith.constant 0 : i32
    %dma_wait3A_497 = arith.constant 0 : i32
    %dma_wait3A_498 = tpu.memref_slice %arg6[%dma_wait3A_495, %dma_wait3A_496, %dma_wait3A_497] : memref<3x256x128xf32, #tpu.memory_space<vmem>> -> memref<1x256x128xf32, #tpu.memory_space<vmem>>
    %dma_wait3A_499 = tpu.memref_squeeze %dma_wait3A_498 : memref<1x256x128xf32, #tpu.memory_space<vmem>> -> memref<256x128xf32, #tpu.memory_space<vmem>>
    %dma_wait3A_500 = arith.constant 0 : i32
    %dma_wait3A_501 = tpu.memref_slice %arg4[%add3A_481, %dma_wait3A_500] : memref<106496x128xf32, #tpu.memory_space<hbm>> -> memref<256x128xf32, #tpu.memory_space<hbm>>
    %dma_wait3A_502 = arith.constant 0 : i32
    %dma_wait3A_503 = tpu.memref_slice %arg4[%add3A_481, %dma_wait3A_502] : memref<106496x128xf32, #tpu.memory_space<hbm>> -> memref<256x128xf32, #tpu.memory_space<hbm>>
    %dma_wait3A_504 = arith.constant 0 : i32
    %dma_wait3A_505 = arith.constant 0 : i32
    %dma_wait3A_506 = tpu.memref_slice %arg6[%dma_wait3A_495, %dma_wait3A_504, %dma_wait3A_505] : memref<3x256x128xf32, #tpu.memory_space<vmem>> -> memref<1x256x128xf32, #tpu.memory_space<vmem>>
    %dma_wait3A_507 = tpu.memref_squeeze %dma_wait3A_506 : memref<1x256x128xf32, #tpu.memory_space<vmem>> -> memref<256x128xf32, #tpu.memory_space<vmem>>
    tpu.wait_dma2 semaphore(%arg9 : memref<!tpu.dma_semaphore, #tpu.memory_space<semaphore_mem>>) src(%dma_wait3A_507 : memref<256x128xf32, #tpu.memory_space<vmem>>) dst(%dma_wait3A_503 : memref<256x128xf32, #tpu.memory_space<hbm>>)
    %dma_start3A_508 = arith.constant 0 : i32
    %dma_start3A_509 = arith.constant 0 : i32
    %dma_start3A_510 = arith.constant 0 : i32
    %dma_start3A_511 = tpu.memref_slice %arg6[%dma_start3A_508, %dma_start3A_509, %dma_start3A_510] : memref<3x256x128xf32, #tpu.memory_space<vmem>> -> memref<1x256x128xf32, #tpu.memory_space<vmem>>
    %dma_start3A_512 = tpu.memref_squeeze %dma_start3A_511 : memref<1x256x128xf32, #tpu.memory_space<vmem>> -> memref<256x128xf32, #tpu.memory_space<vmem>>
    %dma_start3A_513 = arith.constant 3072 : i32
    %dma_start3A_514 = tpu.memref_slice %arg5[%dma_start3A_513] : memref<3328xi32, #tpu.memory_space<vmem>> -> memref<256xi32, #tpu.memory_space<vmem>>
    %dma_start3A_515 = arith.constant 0 : i32
    %dma_start3A_516 = arith.constant 0 : i32
    %dma_start3A_517 = tpu.memref_slice %arg7[%dma_start3A_515, %dma_start3A_516] : memref<1000x128xf32, #tpu.memory_space<vmem_shared>> -> memref<1000x128xf32, #tpu.memory_space<vmem_shared>>
    tpu.enqueue_indirect_dma source(%dma_start3A_517 : memref<1000x128xf32, #tpu.memory_space<vmem_shared>>) target(%dma_start3A_512 : memref<256x128xf32, #tpu.memory_space<vmem>>) offsets(%dma_start3A_514 : memref<256xi32, #tpu.memory_space<vmem>>) semaphore(%arg8 : memref<!tpu.dma_semaphore, #tpu.memory_space<semaphore_mem>>)
    %dma_wait3A_518 = arith.constant 1 : i32
    %dma_wait3A_519 = arith.constant 0 : i32
    %dma_wait3A_520 = arith.constant 0 : i32
    %dma_wait3A_521 = tpu.memref_slice %arg6[%dma_wait3A_518, %dma_wait3A_519, %dma_wait3A_520] : memref<3x256x128xf32, #tpu.memory_space<vmem>> -> memref<1x256x128xf32, #tpu.memory_space<vmem>>
    %dma_wait3A_522 = tpu.memref_squeeze %dma_wait3A_521 : memref<1x256x128xf32, #tpu.memory_space<vmem>> -> memref<256x128xf32, #tpu.memory_space<vmem>>
    %dma_wait3A_523 = arith.constant 2560 : i32
    %dma_wait3A_524 = tpu.memref_slice %arg5[%dma_wait3A_523] : memref<3328xi32, #tpu.memory_space<vmem>> -> memref<256xi32, #tpu.memory_space<vmem>>
    %dma_wait3A_525 = arith.constant 0 : i32
    %dma_wait3A_526 = arith.constant 0 : i32
    %dma_wait3A_527 = tpu.memref_slice %arg7[%dma_wait3A_525, %dma_wait3A_526] : memref<1000x128xf32, #tpu.memory_space<vmem_shared>> -> memref<1000x128xf32, #tpu.memory_space<vmem_shared>>
    tpu.wait_indirect_dma semaphore(%arg8 : memref<!tpu.dma_semaphore, #tpu.memory_space<semaphore_mem>>) src(%dma_wait3A_527 : memref<1000x128xf32, #tpu.memory_space<vmem_shared>>) dst(%dma_wait3A_522 : memref<256x128xf32, #tpu.memory_space<vmem>>)
    %add3A_528 = arith.constant 2560 : i32
    %add3A_529 = arith.addi %mul3A_2, %add3A_528 : i32
    %dma_start3A_530 = arith.constant 1 : i32
    %dma_start3A_531 = arith.constant 0 : i32
    %dma_start3A_532 = arith.constant 0 : i32
    %dma_start3A_533 = tpu.memref_slice %arg6[%dma_start3A_530, %dma_start3A_531, %dma_start3A_532] : memref<3x256x128xf32, #tpu.memory_space<vmem>> -> memref<1x256x128xf32, #tpu.memory_space<vmem>>
    %dma_start3A_534 = tpu.memref_squeeze %dma_start3A_533 : memref<1x256x128xf32, #tpu.memory_space<vmem>> -> memref<256x128xf32, #tpu.memory_space<vmem>>
    %dma_start3A_535 = arith.constant 0 : i32
    %dma_start3A_536 = tpu.memref_slice %arg4[%add3A_529, %dma_start3A_535] : memref<106496x128xf32, #tpu.memory_space<hbm>> -> memref<256x128xf32, #tpu.memory_space<hbm>>
    %dma_start3A_537 = arith.constant 0 : i32
    %dma_start3A_538 = tpu.memref_slice %arg4[%add3A_529, %dma_start3A_537] : memref<106496x128xf32, #tpu.memory_space<hbm>> -> memref<256x128xf32, #tpu.memory_space<hbm>>
    %dma_start3A_539 = arith.constant 0 : i32
    %dma_start3A_540 = arith.constant 0 : i32
    %dma_start3A_541 = tpu.memref_slice %arg6[%dma_start3A_530, %dma_start3A_539, %dma_start3A_540] : memref<3x256x128xf32, #tpu.memory_space<vmem>> -> memref<1x256x128xf32, #tpu.memory_space<vmem>>
    %dma_start3A_542 = tpu.memref_squeeze %dma_start3A_541 : memref<1x256x128xf32, #tpu.memory_space<vmem>> -> memref<256x128xf32, #tpu.memory_space<vmem>>
    tpu.enqueue_dma source(%dma_start3A_542 : memref<256x128xf32, #tpu.memory_space<vmem>>) target(%dma_start3A_538 : memref<256x128xf32, #tpu.memory_space<hbm>>) target_semaphore(%arg9 : memref<!tpu.dma_semaphore, #tpu.memory_space<semaphore_mem>>)
    %dma_wait3A_543 = arith.constant 2 : i32
    %dma_wait3A_544 = arith.constant 0 : i32
    %dma_wait3A_545 = arith.constant 0 : i32
    %dma_wait3A_546 = tpu.memref_slice %arg6[%dma_wait3A_543, %dma_wait3A_544, %dma_wait3A_545] : memref<3x256x128xf32, #tpu.memory_space<vmem>> -> memref<1x256x128xf32, #tpu.memory_space<vmem>>
    %dma_wait3A_547 = tpu.memref_squeeze %dma_wait3A_546 : memref<1x256x128xf32, #tpu.memory_space<vmem>> -> memref<256x128xf32, #tpu.memory_space<vmem>>
    %dma_wait3A_548 = arith.constant 2816 : i32
    %dma_wait3A_549 = tpu.memref_slice %arg5[%dma_wait3A_548] : memref<3328xi32, #tpu.memory_space<vmem>> -> memref<256xi32, #tpu.memory_space<vmem>>
    %dma_wait3A_550 = arith.constant 0 : i32
    %dma_wait3A_551 = arith.constant 0 : i32
    %dma_wait3A_552 = tpu.memref_slice %arg7[%dma_wait3A_550, %dma_wait3A_551] : memref<1000x128xf32, #tpu.memory_space<vmem_shared>> -> memref<1000x128xf32, #tpu.memory_space<vmem_shared>>
    tpu.wait_indirect_dma semaphore(%arg8 : memref<!tpu.dma_semaphore, #tpu.memory_space<semaphore_mem>>) src(%dma_wait3A_552 : memref<1000x128xf32, #tpu.memory_space<vmem_shared>>) dst(%dma_wait3A_547 : memref<256x128xf32, #tpu.memory_space<vmem>>)
    %add3A_553 = arith.constant 2816 : i32
    %add3A_554 = arith.addi %mul3A_2, %add3A_553 : i32
    %dma_start3A_555 = arith.constant 2 : i32
    %dma_start3A_556 = arith.constant 0 : i32
    %dma_start3A_557 = arith.constant 0 : i32
    %dma_start3A_558 = tpu.memref_slice %arg6[%dma_start3A_555, %dma_start3A_556, %dma_start3A_557] : memref<3x256x128xf32, #tpu.memory_space<vmem>> -> memref<1x256x128xf32, #tpu.memory_space<vmem>>
    %dma_start3A_559 = tpu.memref_squeeze %dma_start3A_558 : memref<1x256x128xf32, #tpu.memory_space<vmem>> -> memref<256x128xf32, #tpu.memory_space<vmem>>
    %dma_start3A_560 = arith.constant 0 : i32
    %dma_start3A_561 = tpu.memref_slice %arg4[%add3A_554, %dma_start3A_560] : memref<106496x128xf32, #tpu.memory_space<hbm>> -> memref<256x128xf32, #tpu.memory_space<hbm>>
    %dma_start3A_562 = arith.constant 0 : i32
    %dma_start3A_563 = tpu.memref_slice %arg4[%add3A_554, %dma_start3A_562] : memref<106496x128xf32, #tpu.memory_space<hbm>> -> memref<256x128xf32, #tpu.memory_space<hbm>>
    %dma_start3A_564 = arith.constant 0 : i32
    %dma_start3A_565 = arith.constant 0 : i32
    %dma_start3A_566 = tpu.memref_slice %arg6[%dma_start3A_555, %dma_start3A_564, %dma_start3A_565] : memref<3x256x128xf32, #tpu.memory_space<vmem>> -> memref<1x256x128xf32, #tpu.memory_space<vmem>>
    %dma_start3A_567 = tpu.memref_squeeze %dma_start3A_566 : memref<1x256x128xf32, #tpu.memory_space<vmem>> -> memref<256x128xf32, #tpu.memory_space<vmem>>
    tpu.enqueue_dma source(%dma_start3A_567 : memref<256x128xf32, #tpu.memory_space<vmem>>) target(%dma_start3A_563 : memref<256x128xf32, #tpu.memory_space<hbm>>) target_semaphore(%arg9 : memref<!tpu.dma_semaphore, #tpu.memory_space<semaphore_mem>>)
    %dma_wait3A_568 = arith.constant 0 : i32
    %dma_wait3A_569 = arith.constant 0 : i32
    %dma_wait3A_570 = arith.constant 0 : i32
    %dma_wait3A_571 = tpu.memref_slice %arg6[%dma_wait3A_568, %dma_wait3A_569, %dma_wait3A_570] : memref<3x256x128xf32, #tpu.memory_space<vmem>> -> memref<1x256x128xf32, #tpu.memory_space<vmem>>
    %dma_wait3A_572 = tpu.memref_squeeze %dma_wait3A_571 : memref<1x256x128xf32, #tpu.memory_space<vmem>> -> memref<256x128xf32, #tpu.memory_space<vmem>>
    %dma_wait3A_573 = arith.constant 3072 : i32
    %dma_wait3A_574 = tpu.memref_slice %arg5[%dma_wait3A_573] : memref<3328xi32, #tpu.memory_space<vmem>> -> memref<256xi32, #tpu.memory_space<vmem>>
    %dma_wait3A_575 = arith.constant 0 : i32
    %dma_wait3A_576 = arith.constant 0 : i32
    %dma_wait3A_577 = tpu.memref_slice %arg7[%dma_wait3A_575, %dma_wait3A_576] : memref<1000x128xf32, #tpu.memory_space<vmem_shared>> -> memref<1000x128xf32, #tpu.memory_space<vmem_shared>>
    tpu.wait_indirect_dma semaphore(%arg8 : memref<!tpu.dma_semaphore, #tpu.memory_space<semaphore_mem>>) src(%dma_wait3A_577 : memref<1000x128xf32, #tpu.memory_space<vmem_shared>>) dst(%dma_wait3A_572 : memref<256x128xf32, #tpu.memory_space<vmem>>)
    %add3A_578 = arith.constant 3072 : i32
    %add3A_579 = arith.addi %mul3A_2, %add3A_578 : i32
    %dma_start3A_580 = arith.constant 0 : i32
    %dma_start3A_581 = arith.constant 0 : i32
    %dma_start3A_582 = arith.constant 0 : i32
    %dma_start3A_583 = tpu.memref_slice %arg6[%dma_start3A_580, %dma_start3A_581, %dma_start3A_582] : memref<3x256x128xf32, #tpu.memory_space<vmem>> -> memref<1x256x128xf32, #tpu.memory_space<vmem>>
    %dma_start3A_584 = tpu.memref_squeeze %dma_start3A_583 : memref<1x256x128xf32, #tpu.memory_space<vmem>> -> memref<256x128xf32, #tpu.memory_space<vmem>>
    %dma_start3A_585 = arith.constant 0 : i32
    %dma_start3A_586 = tpu.memref_slice %arg4[%add3A_579, %dma_start3A_585] : memref<106496x128xf32, #tpu.memory_space<hbm>> -> memref<256x128xf32, #tpu.memory_space<hbm>>
    %dma_start3A_587 = arith.constant 0 : i32
    %dma_start3A_588 = tpu.memref_slice %arg4[%add3A_579, %dma_start3A_587] : memref<106496x128xf32, #tpu.memory_space<hbm>> -> memref<256x128xf32, #tpu.memory_space<hbm>>
    %dma_start3A_589 = arith.constant 0 : i32
    %dma_start3A_590 = arith.constant 0 : i32
    %dma_start3A_591 = tpu.memref_slice %arg6[%dma_start3A_580, %dma_start3A_589, %dma_start3A_590] : memref<3x256x128xf32, #tpu.memory_space<vmem>> -> memref<1x256x128xf32, #tpu.memory_space<vmem>>
    %dma_start3A_592 = tpu.memref_squeeze %dma_start3A_591 : memref<1x256x128xf32, #tpu.memory_space<vmem>> -> memref<256x128xf32, #tpu.memory_space<vmem>>
    tpu.enqueue_dma source(%dma_start3A_592 : memref<256x128xf32, #tpu.memory_space<vmem>>) target(%dma_start3A_588 : memref<256x128xf32, #tpu.memory_space<hbm>>) target_semaphore(%arg9 : memref<!tpu.dma_semaphore, #tpu.memory_space<semaphore_mem>>)
    %dma_wait3A_593 = arith.constant 1 : i32
    %dma_wait3A_594 = arith.constant 0 : i32
    %dma_wait3A_595 = arith.constant 0 : i32
    %dma_wait3A_596 = tpu.memref_slice %arg6[%dma_wait3A_593, %dma_wait3A_594, %dma_wait3A_595] : memref<3x256x128xf32, #tpu.memory_space<vmem>> -> memref<1x256x128xf32, #tpu.memory_space<vmem>>
    %dma_wait3A_597 = tpu.memref_squeeze %dma_wait3A_596 : memref<1x256x128xf32, #tpu.memory_space<vmem>> -> memref<256x128xf32, #tpu.memory_space<vmem>>
    %dma_wait3A_598 = arith.constant 0 : i32
    %dma_wait3A_599 = tpu.memref_slice %arg4[%add3A_529, %dma_wait3A_598] : memref<106496x128xf32, #tpu.memory_space<hbm>> -> memref<256x128xf32, #tpu.memory_space<hbm>>
    %dma_wait3A_600 = arith.constant 0 : i32
    %dma_wait3A_601 = tpu.memref_slice %arg4[%add3A_529, %dma_wait3A_600] : memref<106496x128xf32, #tpu.memory_space<hbm>> -> memref<256x128xf32, #tpu.memory_space<hbm>>
    %dma_wait3A_602 = arith.constant 0 : i32
    %dma_wait3A_603 = arith.constant 0 : i32
    %dma_wait3A_604 = tpu.memref_slice %arg6[%dma_wait3A_593, %dma_wait3A_602, %dma_wait3A_603] : memref<3x256x128xf32, #tpu.memory_space<vmem>> -> memref<1x256x128xf32, #tpu.memory_space<vmem>>
    %dma_wait3A_605 = tpu.memref_squeeze %dma_wait3A_604 : memref<1x256x128xf32, #tpu.memory_space<vmem>> -> memref<256x128xf32, #tpu.memory_space<vmem>>
    tpu.wait_dma2 semaphore(%arg9 : memref<!tpu.dma_semaphore, #tpu.memory_space<semaphore_mem>>) src(%dma_wait3A_605 : memref<256x128xf32, #tpu.memory_space<vmem>>) dst(%dma_wait3A_601 : memref<256x128xf32, #tpu.memory_space<hbm>>)
    %dma_wait3A_606 = arith.constant 2 : i32
    %dma_wait3A_607 = arith.constant 0 : i32
    %dma_wait3A_608 = arith.constant 0 : i32
    %dma_wait3A_609 = tpu.memref_slice %arg6[%dma_wait3A_606, %dma_wait3A_607, %dma_wait3A_608] : memref<3x256x128xf32, #tpu.memory_space<vmem>> -> memref<1x256x128xf32, #tpu.memory_space<vmem>>
    %dma_wait3A_610 = tpu.memref_squeeze %dma_wait3A_609 : memref<1x256x128xf32, #tpu.memory_space<vmem>> -> memref<256x128xf32, #tpu.memory_space<vmem>>
    %dma_wait3A_611 = arith.constant 0 : i32
    %dma_wait3A_612 = tpu.memref_slice %arg4[%add3A_554, %dma_wait3A_611] : memref<106496x128xf32, #tpu.memory_space<hbm>> -> memref<256x128xf32, #tpu.memory_space<hbm>>
    %dma_wait3A_613 = arith.constant 0 : i32
    %dma_wait3A_614 = tpu.memref_slice %arg4[%add3A_554, %dma_wait3A_613] : memref<106496x128xf32, #tpu.memory_space<hbm>> -> memref<256x128xf32, #tpu.memory_space<hbm>>
    %dma_wait3A_615 = arith.constant 0 : i32
    %dma_wait3A_616 = arith.constant 0 : i32
    %dma_wait3A_617 = tpu.memref_slice %arg6[%dma_wait3A_606, %dma_wait3A_615, %dma_wait3A_616] : memref<3x256x128xf32, #tpu.memory_space<vmem>> -> memref<1x256x128xf32, #tpu.memory_space<vmem>>
    %dma_wait3A_618 = tpu.memref_squeeze %dma_wait3A_617 : memref<1x256x128xf32, #tpu.memory_space<vmem>> -> memref<256x128xf32, #tpu.memory_space<vmem>>
    tpu.wait_dma2 semaphore(%arg9 : memref<!tpu.dma_semaphore, #tpu.memory_space<semaphore_mem>>) src(%dma_wait3A_618 : memref<256x128xf32, #tpu.memory_space<vmem>>) dst(%dma_wait3A_614 : memref<256x128xf32, #tpu.memory_space<hbm>>)
    %dma_wait3A_619 = arith.constant 0 : i32
    %dma_wait3A_620 = arith.constant 0 : i32
    %dma_wait3A_621 = arith.constant 0 : i32
    %dma_wait3A_622 = tpu.memref_slice %arg6[%dma_wait3A_619, %dma_wait3A_620, %dma_wait3A_621] : memref<3x256x128xf32, #tpu.memory_space<vmem>> -> memref<1x256x128xf32, #tpu.memory_space<vmem>>
    %dma_wait3A_623 = tpu.memref_squeeze %dma_wait3A_622 : memref<1x256x128xf32, #tpu.memory_space<vmem>> -> memref<256x128xf32, #tpu.memory_space<vmem>>
    %dma_wait3A_624 = arith.constant 0 : i32
    %dma_wait3A_625 = tpu.memref_slice %arg4[%add3A_579, %dma_wait3A_624] : memref<106496x128xf32, #tpu.memory_space<hbm>> -> memref<256x128xf32, #tpu.memory_space<hbm>>
    %dma_wait3A_626 = arith.constant 0 : i32
    %dma_wait3A_627 = tpu.memref_slice %arg4[%add3A_579, %dma_wait3A_626] : memref<106496x128xf32, #tpu.memory_space<hbm>> -> memref<256x128xf32, #tpu.memory_space<hbm>>
    %dma_wait3A_628 = arith.constant 0 : i32
    %dma_wait3A_629 = arith.constant 0 : i32
    %dma_wait3A_630 = tpu.memref_slice %arg6[%dma_wait3A_619, %dma_wait3A_628, %dma_wait3A_629] : memref<3x256x128xf32, #tpu.memory_space<vmem>> -> memref<1x256x128xf32, #tpu.memory_space<vmem>>
    %dma_wait3A_631 = tpu.memref_squeeze %dma_wait3A_630 : memref<1x256x128xf32, #tpu.memory_space<vmem>> -> memref<256x128xf32, #tpu.memory_space<vmem>>
    tpu.wait_dma2 semaphore(%arg9 : memref<!tpu.dma_semaphore, #tpu.memory_space<semaphore_mem>>) src(%dma_wait3A_631 : memref<256x128xf32, #tpu.memory_space<vmem>>) dst(%dma_wait3A_627 : memref<256x128xf32, #tpu.memory_space<hbm>>)
    return
  }
}

</mosaic_0001>

<sc_bundles>
// kernel: kernel.3.cloned.1.call-start
scs
__scs_entry_jumppad:
0x0: {  	(pc) =	sbr.rel $0x88, $3  }
0x1: {  	(tag) =	ssettag $0x0;
	lr =	simm.s32 $0x1  }
0x2: {  	[smem:$0x3F9F] =	sst lr;
	_ =	strace $0xD0000000  }
0x3: {  	_ = 	snop  }
0x4: {  	_ = 	snop  }
0x5: {  	_ = 	snop  }
0x6: {  	_ = 	snop  }
0x7: {  	_ = 	snop  }
__scs_overlays_trampoline_lowered:
0x8: {  	[smem:$0x3FAE] =	sst s0  }
0x9: {  	[smem:$0x3FAF] =	sst s1  }
0xa: {  	[smem:$0x3FB0] =	sst s2  }
0xb: {  	[smem:$0x3FB1] =	sst s3  }
0xc: {  	[smem:$0x3FB2] =	sst s4  }
0xd: {  	[smem:$0x3FB3] =	sst s5  }
0xe: {  	[smem:$0x3FB4] =	sst s6  }
0xf: {  	[smem:$0x3FB5] =	sst s7  }
0x10: {  	[smem:$0x3FB6] =	sst s8  }
0x11: {  	[smem:$0x3FB7] =	sst s9;
	s0 =	simm.s32 @!p0 $0x0  }
0x12: {  	s1 =	sld [smem:$0x3F9D];
	s0 =	simm.s32 @p0 $0x1  }
0x13: {  	[smem:$0x3FB8] =	sst s0;
	s0 =	simm.s32 @!p1 $0x0  }
0x14: {  	s2 =	sld [smem:$0x3F9C];
	s0 =	simm.s32 @p1 $0x1  }
0x15: {  	[smem:$0x3FB9] =	sst s0;
	s0 =	simm.s32 @!p2 $0x0  }
0x16: {  	s3 =	sld [smem:$0x3FDB];
	s0 =	simm.s32 @p2 $0x1  }
0x17: {  	s4 =	simm.s32 $0x1BF5;
	[smem:$0x3FBB] =	sst s0  }
0x18: {  	s0 =	sld [smem:$0x3F9E];
	_ =	swait.ge [sflag:s4], $0x0  }
0x19: {  	s7 =	sld [smem:$0x3F9F]  }
0x1a: {  	s8 =	sadd.s32 $0xFFFFE003, lr  }
0x1b: {  	s9 =	sadd.s32 $0xFFFFFEF7, lr;
	s5 =	simm.s32 $0xFFFFFFFF;
	p2 =	slt.u32 s8, $0xFFFFF086  }
0x1c: {  	p1 =	slt.u32 s9, $0xF7A;
	s5 =	simm.s32 @!p2 $0x0  }
0x1d: {  	s5 =	simm.s32 @p1 $0x1;
	p0 =	seq.s32 s7, s2  }
0x1e: {  	s7 =	smul.u32 @!p0 $0xF7A, s2;
	p2 =	seq.s32 @!p0 s5, $0x0  }
0x1f: {  	s9 =	smul.u32 $0xF7A, s1;
	s8 =	simm.s32 @!p0 $0x1BF5;
	p2 =	por !p2, p0  }
0x20: {  	[sflag:s8] =	ssyncset.s32 @!p0 $0xFFFFF086;
	s6 =	sadd.s32 @!p0 s3, s7;
	s7 =	simm.s32 @!p0 $0x108  }
0x21: {  	s3 =	sadd.s32 s3, s9;
	s6 =	sadd.s32 @!p0 $0x88, s6;
	s7 =	simm.s32 @p2 $0x1082  }
0x22: {  	[simem:s7], [sflag:s8] =	dma.local @!p0 [hbm:s6], $0xF7A  }
0x23: {  	s9 =	sor.u32 $0xD0000000, s2;
	s6 =	simm.s32 $0x108;
	_ =	swait.ge @!p0 [sflag:s8], $0x0  }
0x24: {  	s3 =	sadd.s32 $0x88, s3;
	s6 =	simm.s32 @!p1 $0x1082;
	[sflag:s4] =	ssyncset.s32 $0xFFFFF086  }
0x25: {  	[simem:s6], [sflag:s4] =	dma.local [hbm:s3], $0xF7A  }
0x26: {  	[smem:$0x3F9F] =	sst s1;
	(tag) =	ssettag s2;
	_ =	strace s9  }
0x27: {  	s1 =	sld [smem:$0x3FAF]  }
0x28: {  	s2 =	sld [smem:$0x3FB0]  }
0x29: {  	s4 =	sld [smem:$0x3FB2]  }
0x2a: {  	p0 =	seq.s32 s5, $0x0;
	s5 =	sld [smem:$0x3FB3]  }
0x2b: {  	s6 =	sld [smem:$0x3FB4]  }
0x2c: {  	s7 =	sld [smem:$0x3FB5]  }
0x2d: {  	s3 =	simm.s32 $0x108;
	s8 =	sld [smem:$0x3FB6]  }
0x2e: {  	s3 =	simm.s32 @!p0 $0x1082;
	s9 =	sld [smem:$0x3FB7]  }
0x2f: {  	lr =	sadd.s32 s0, s3;
	s0 =	sld [smem:$0x3FAE]  }
0x30: {  	s3 =	sld [smem:$0x3FB1]  }
0x31: {  	[smem:$0x3FBA] =	sst s10  }
0x32: {  	s10 =	sld [smem:$0x3FB8];
	_ =	sdelay $0x3  }
0x33: {  	p0 =	seq.s32 s10, $0x1;
	s10 =	sld [smem:$0x3FBA];
	_ =	sdelay $0x3  }
0x34: {  	[smem:$0x3FBA] =	sst s10  }
0x35: {  	s10 =	sld [smem:$0x3FB9];
	_ =	sdelay $0x3  }
0x36: {  	p1 =	seq.s32 s10, $0x1;
	s10 =	sld [smem:$0x3FBA];
	_ =	sdelay $0x3  }
0x37: {  	[smem:$0x3FBA] =	sst s10  }
0x38: {  	s10 =	sld [smem:$0x3FBB]  }
0x39: {  	_ = 	snop;
	(pc) =	sbr.ind lr, $3  }
0x3a: {  	_ = 	snop  }
0x3b: {  	_ = 	snop  }
0x3c: {  	p2 =	seq.s32 s10, $0x1;
	s10 =	sld [smem:$0x3FBA]  }
0x3d: {  	_ =	shalt  }
0x3e: {  	_ =	shalt  }
0x3f: {  	_ =	shalt  }
0x40: {  	_ =	shalt  }
0x41: {  	_ =	shalt  }
0x42: {  	_ =	shalt  }
0x43: {  	_ =	shalt  }
0x44: {  	_ =	shalt  }
0x45: {  	_ =	shalt  }
0x46: {  	_ =	shalt  }
0x47: {  	_ =	shalt  }
0x48: {  	_ =	shalt  }
0x49: {  	_ =	shalt  }
0x4a: {  	_ =	shalt  }
0x4b: {  	_ =	shalt  }
0x4c: {  	_ =	shalt  }
0x4d: {  	_ =	shalt  }
0x4e: {  	_ =	shalt  }
0x4f: {  	_ =	shalt  }
0x50: {  	_ =	shalt  }
0x51: {  	_ =	shalt  }
0x52: {  	_ =	shalt  }
0x53: {  	_ =	shalt  }
0x54: {  	_ =	shalt  }
0x55: {  	_ =	shalt  }
0x56: {  	_ =	shalt  }
0x57: {  	_ =	shalt  }
0x58: {  	_ =	shalt  }
0x59: {  	_ =	shalt  }
0x5a: {  	_ =	shalt  }
0x5b: {  	_ =	shalt  }
0x5c: {  	_ =	shalt  }
0x5d: {  	_ =	shalt  }
0x5e: {  	_ =	shalt  }
0x5f: {  	_ =	shalt  }
0x60: {  	_ =	shalt  }
0x61: {  	_ =	shalt  }
0x62: {  	_ =	shalt  }
0x63: {  	_ =	shalt  }
0x64: {  	_ =	shalt  }
0x65: {  	_ =	shalt  }
0x66: {  	_ =	shalt  }
0x67: {  	_ =	shalt  }
0x68: {  	_ =	shalt  }
0x69: {  	_ =	shalt  }
0x6a: {  	_ =	shalt  }
0x6b: {  	_ =	shalt  }
0x6c: {  	_ =	shalt  }
0x6d: {  	_ =	shalt  }
0x6e: {  	_ =	shalt  }
0x6f: {  	_ =	shalt  }
0x70: {  	_ =	shalt  }
0x71: {  	_ =	shalt  }
0x72: {  	_ =	shalt  }
0x73: {  	_ =	shalt  }
0x74: {  	_ =	shalt  }
0x75: {  	_ =	shalt  }
0x76: {  	_ =	shalt  }
0x77: {  	_ =	shalt  }
0x78: {  	_ =	shalt  }
0x79: {  	_ =	shalt  }
0x7a: {  	_ =	shalt  }
0x7b: {  	_ =	shalt  }
0x7c: {  	_ =	shalt  }
0x7d: {  	_ =	shalt  }
0x7e: {  	_ =	shalt  }
0x7f: {  	_ =	shalt  }
0x80: {  	_ =	shalt  }
0x81: {  	_ =	shalt  }
0x82: {  	_ =	shalt  }
0x83: {  	_ =	shalt  }
0x84: {  	_ =	shalt  }
0x85: {  	_ =	shalt  }
0x86: {  	_ =	shalt  }
0x87: {  	_ =	shalt  }
.Lfunc_end0:
.L_simem_size_0:
called_computation_lowered:
.L_overlay_start_0:
0x88: {  	s2 =	sld [smem:$0x3FD9]  }
0x89: {  	s3 =	sld [smem:$0x3FFE];
	_ =	sdelay $0x1  }
0x8a: {  	s1 =	srdreg.scid  }
0x8b: {  	s0 =	sand.u32 $0x1, s1  }
0x8c: {  	s17 =	sshll.u32 s0, $0xA;
	s2 =	sadd.s32 s3, s2  }
0x8d: {  	s2 =	sadd.s32 s2, s17  }
0x8e: {  	[smem:$0x3FC6] =	sst s2  }
0x8f: {  	_ = 	snop  }
0x90: {  	s2 =	sld [smem:$0x3FC8]  }
0x91: {  	s18 =	sld [smem:$0x3FD0];
	(tm) =	ssettm $0x1  }
0x92: {  	s4 =	sld [smem:$0x3FFB];
	_ =	sdelay $0x3  }
0x93: {  	_ =	strace s4  }
0x94: {  	s4 =	sld [smem:$0x3FFC];
	_ =	sdelay $0x3  }
0x95: {  	_ =	strace s4  }
0x96: {  	s4 =	sld [smem:$0x3FFD];
	_ =	sdelay $0x3  }
0x97: {  	_ =	strace s4  }
0x98: {  	_ =	strace $0x8FFFFFFF  }
0x99: {  	s19 =	sld [smem:$0x3FDB];
	_ =	sdelay $0x1  }
0x9a: {  	s5 =	simm.s32 $_scs_section_size  }
0x9b: {  	s6 =	simm.s32 $_size__tile_overlayer_lowered;
	s7 =	simm.s32 $_tile_overlayer_lowered  }
0x9c: {  	s22 =	simm.s32 $0x1BFF;
	s21 =	sshll.u32 s7, $0x1;
	s4 =	sadd.s32 s5, s19  }
0x9d: {  	s8 =	simm.s32 $0x0;
	s20 =	sshll.u32 s6, $0x1;
	s6 =	sadd.s32 s21, s4  }
0x9e: {  	[timem:s8], [sflag:s22] =	dma.local [hbm:s6], s20  }
0x9f: {  	_ =	swait.ge [sflag:s22], s20  }
0xa0: {  	s5 =	ssub.s32 $0x0, s20;
	[sflag:s22] =	ssyncset.done $0x0  }
0xa1: {  	[sflag:s22] =	ssyncadd.s32 s5;
	_ =	sdelay $0x1  }
0xa2: {  	s23 =	simm.s32 $0x1B8B  }
0xa3: {  	_ =	swait.ge [sflag:s23], $0x1  }
0xa4: {  	[sflag:s23] =	ssyncset.done $0x0  }
0xa5: {  	s25 =	simm.s32 $0x1B8E;
	s24 =	sld [smem:$0x3FFE];
	[sflag:s23] =	ssyncadd.s32 $0xFFFFFFFF  }
0xa6: {  	s26 =	simm.s32 $execute0_lowered;
	[smem:$0x3FD2] =	sst s25  }
0xa7: {  	s6 =	sshll.u32 s26, $0x1;
	_ =	strace $0x80000046;
	[dreg:$0x1] =	wrdreg $0xFFFFFFFF  }
0xa8: {  	s28 =	simm.s32 $_size_execute0_lowered;
	s4 =	sadd.s32 s4, s6;
	[dreg:$0x0] =	wrdreg $0x0  }
0xa9: {  	s6 =	sshll.u32 s28, $0x1;
	[dreg:$0x2] =	wrdreg s4  }
0xaa: {  	[dreg:$0x3] =	wrdreg s6  }
0xab: {  	[dreg:$0x4] =	wrdreg $0xC0  }
0xac: {  	_ =	task [dreg:s8], $0x5FFFF  }
0xad: {  	[dreg:$0x1] =	wrdreg $0xFFFFFFFF  }
0xae: {  	[dreg:$0x0] =	wrdreg $0x60  }
0xaf: {  	[dreg:$0x2] =	wrdreg s24  }
0xb0: {  	[dreg:$0x3] =	wrdreg s2  }
0xb1: {  	[dreg:$0x4] =	wrdreg s18  }
0xb2: {  	[dreg:$0x5] =	wrdreg $0x18D000  }
0xb3: {  	[dreg:$0x6] =	wrdreg $0x9  }
0xb4: {  	_ =	task.clear_ibuf [dreg:s8], $0x7FFFF;
	_ =	strace $0x90000046  }
0xb5: {  	s29 =	simm.s32 $0x9;
	_ =	strace $0x80000048  }
0xb6: {  	_ =	swait.ge [sflag:s29], $0x1  }
0xb7: {  	[sflag:s29] =	ssyncadd.s32 $0xFFFFFFFF  }
0xb8: {  	_ =	strace $0x90000048  }
0xb9: {  	_ =	sfence  }
0xba: {  	s30 =	sld [smem:$0x0];
	_ =	sdelay $0x2  }
0xbb: {  	s31 =	sshll.u32 s1, $0xD;
	s1 =	sshrl.u32 s1, $0x2  }
0xbc: {  	s3 =	sand.u32 $0x4000, s31;
	s1 =	sadd.s32 s1, s30  }
0xbd: {  	s0 =	sor.u32 s3, s0;
	s1 =	sshll.u32 s1, $0x11  }
0xbe: {  	s0 =	sor.u32 s1, s0  }
0xbf: {  	s0 =	sadd.s32 $0x8F2B, s0  }
0xc0: {  	[sflag:s0] =	ssyncadd.remote.s32 $0x1  }
0xc1: {  	_ =	sfence.sel $0xFFFF  }
0xc2: {  	[dreg:$0x0] =	wrdreg $0xFFFFFFFF;
	(pc) =	sbr.abs _section_cstart, $3  }
0xc3: {  	[dreg:$0x1] =	wrdreg $0xFFFFFFFF  }
0xc4: {  	_ =	task.clear_ibuf [dreg:s8], $0x2FFFF;
	_ =	strace $0x9FFFFFFF  }
0xc5: {  	(tm) =	ssettm $0x7FFFFFFF  }
tec
execute0_lowered:
.L_overlay_start_1:
0x0: {  	(tag) =	ssettag $0x1  }
0x1: {  	s0 =	rddreg [dreg:$0x0]  }
0x2: {  	s1 =	rddreg [dreg:$0x1]  }
0x3: {  	s2 =	srdreg.scid;
	s5 =	rddreg [dreg:$0x2]  }
0x4: {  	s4 =	stileid.u32;
	s25 =	rddreg [dreg:$0x4];
	s11 =	simm.s32 $0x100  }
0x5: {  	s10 =	simm.s32 $0x8D00;
	s18 =	simm.s32 $0x600;
	s17 =	simm.s32 $0x700  }
0x6: {  	s16 =	simm.s32 $0x800;
	s15 =	simm.s32 $0x900;
	s14 =	simm.s32 $0xA00  }
0x7: {  	s13 =	simm.s32 $0xB00;
	p1 =	por $0x0, $0x0;
	[dreg:$0x5] =	wrdreg s1  }
0x8: {  	s3 =	sand.u32 $0x1, s2;
	s19 =	sshll.u32 s4, $0x1;
	s2 =	rddreg [dreg:$0x3]  }
0x9: {  	s1 =	simm.s32 $0x0;
	p0 =	sne.s32 s4, $0x0;
	s6 =	sor.u32 s3, s19  }
0xa: {  	s4 =	simm.s32 $0x2;
	[smem:$0x7FF] =	sst s1;
	s7 =	smul.u32 $0x68000, s6  }
0xb: {  	s3 =	ssub.s32 $0x2, s3;
	s19 =	simm.s32 $0x500;
	s8 =	smul.u32 $0xD000, s6  }
0xc: {  	_ =	strace $0x80000047;
	s6 =	smul.u32 $0x1A0, s6;
	s7 =	sshrl.u32 s7, $0x3  }
0xd: {  	s26 =	sshrl.u32 s3, $0x1;
	s8 =	sadd.s32 s5, s8;
	s9 =	sadd.s32 s5, s7  }
0xe: {  	s0 =	sadd.s32 s6, s0;
	[dreg:$0x6] =	wrdreg s8;
	s5 =	sadd.s32 $0x1000, s9  }
0xf: {  	s6 =	ssub.s32 s3, s26;
	s20 =	sadd.s32 $0x2000, s9;
	[dreg:$0x7] =	wrdreg s5  }
0x10: {  	s31 =	smax.u32 s6, $0x1;
	s21 =	sadd.s32 $0x3000, s9;
	[dreg:$0x8] =	wrdreg s20  }
0x11: {  	s6 =	simm.s32 $0xD00;
	s22 =	sadd.s32 $0x4000, s9;
	[dreg:$0x9] =	wrdreg s21  }
0x12: {  	s8 =	simm.s32 $0x1;
	s23 =	sadd.s32 $0x5000, s9;
	[dreg:$0xa] =	wrdreg s22  }
0x13: {  	s24 =	sadd.s32 $0x6000, s9;
	s12 =	sadd.s32 $0xFFFFFFFF, s31;
	[dreg:$0xb] =	wrdreg s23  }
0x14: {  	s28 =	sadd.s32 $0x7000, s9;
	[dreg:$0xc] =	wrdreg s24;
	p2 =	sne.s32 s12, $0x0  }
.Ltmp0:
0x15: {  	s29 =	sadd.s32 $0x8000, s9;
	[dreg:$0xd] =	wrdreg s28;
	(pc) =	sbr.rel @!p2 .LBB2_5-.Ltmp0, $4  }
0x16: {  	s30 =	sadd.s32 $0x9000, s9;
	s7 =	sadd.s32 $0xA000, s9;
	[dreg:$0xe] =	wrdreg s29  }
0x17: {  	s3 =	sadd.s32 $0xC000, s9;
	s22 =	sadd.s32 $0x400, s0;
	[dreg:$0xf] =	wrdreg s30  }
0x18: {  	s5 =	sadd.s32 $0xB000, s9;
	s24 =	sshrl.u32 @!p0 s2, $0x3;
	s23 =	simm.s32 $0x200  }
0x19: {  	s9 =	simm.s32 $0x10D00;
	s21 =	simm.s32 $0x300;
	s20 =	simm.s32 $0x400  }
0x1a: {  	s25 =	simm.s32 @p0 $0x0;
	s26 =	simm.s32 @p0 $0x4  }
0x1b: {  	[tilespmem:s25], [sflag:$0x4] =	stream.linear.gather @p0 [hbm4b:s22+s25], $0xD00, $0x38;
	[tilespmem:$0x1AC40] =	vst v63  }
0x1c: {  	_ =	swait.ge @p0 [sflag:s26], $0xD00  }
0x1d: {  	s28 =	simm.s32 @!p0 $0x1C03;
	s29 =	simm.s32 @!p0 $0x0;
	[sflag:s26] =	ssyncset.done @p0 $0x0  }
0x1e: {  	s30 =	simm.s32 @!p0 $0x4;
	s31 =	rddreg [dreg:$0x5];
	[sflag:s26] =	ssyncadd.s32 @p0 $0xFFFFF300  }
0x1f: {  	[spmem:s24], [sflag:s28] =	dma.local @!p0 [hbm:s31], $0x3E80  }
0x20: {  	[tilespmem:s29], [sflag:$0x4] =	stream.linear.gather @!p0 [hbm4b:s22+s29], $0xD00, $0x38;
	[tilespmem:$0x1AC40] =	vst v63  }
0x21: {  	_ =	swait.ge @!p0 [sflag:s30], $0xD00  }
0x22: {  	[sflag:s30] =	ssyncset.done @!p0 $0x0  }
0x23: {  	s31 =	simm.s32 @!p0 $0x3;
	[sflag:s30] =	ssyncadd.s32 @!p0 $0xFFFFF300  }
0x24: {  	_ =	swait.ge @!p0 [sflag:s31], $0x3E80  }
0x25: {  	[sflag:s31] =	ssyncset.done @!p0 $0x0  }
0x26: {  	[sflag:s31] =	ssyncadd.s32 @!p0 $0xFFFFC180  }
0x27: {  	[bflag:$0x0] =	sbarrier.arrive $0xFFFF  }
0x28: {  	[tilespmem:s6], [sflag:$0x1] =	stream.indirect.gather [spmem:s2], $0x80, s1, s11, $0xb8;
	[tilespmem:$0x1AC40] =	vst v63  }
0x29: {  	_ = 	snop  }
0x2a: {  	[tilespmem:s10], [sflag:$0x1] =	stream.indirect.gather [spmem:s2], $0x80, s11, s11, $0xb8;
	[tilespmem:$0x1AC40] =	vst v63  }
0x2b: {  	_ = 	snop  }
0x2c: {  	[tilespmem:s9], [sflag:$0x1] =	stream.indirect.gather [spmem:s2], $0x80, s23, s11, $0xb8;
	[tilespmem:$0x1AC40] =	vst v63  }
0x2d: {  	_ =	swait.ge [sflag:s8], $0x8000  }
0x2e: {  	[sflag:s8] =	ssyncset.done $0x0  }
0x2f: {  	s0 =	rddreg [dreg:$0x6];
	[sflag:s8] =	ssyncadd.s32 $0xFFFF8000  }
0x30: {  	[hbm4b:s0+s1] =	stream.linear.scatter [tilespmem:s6], [sflag:$0x2], $0x8000, $0x38;
	[tilespmem:$0x1AC40] =	vst v63  }
0x31: {  	_ =	swait.ge [sflag:s4], $0x8000  }
0x32: {  	[sflag:s4] =	ssyncset.done $0x0  }
0x33: {  	[sflag:s4] =	ssyncadd.s32 $0xFFFF8000  }
0x34: {  	[tilespmem:s6], [sflag:$0x1] =	stream.indirect.gather [spmem:s2], $0x80, s21, s11, $0xb8;
	[tilespmem:$0x1AC40] =	vst v63  }
0x35: {  	_ =	swait.ge [sflag:s8], $0x8000  }
0x36: {  	[sflag:s8] =	ssyncset.done $0x0  }
0x37: {  	s0 =	rddreg [dreg:$0x7];
	[sflag:s8] =	ssyncadd.s32 $0xFFFF8000  }
0x38: {  	[hbm4b:s0+s1] =	stream.linear.scatter [tilespmem:s10], [sflag:$0x2], $0x8000, $0x38;
	[tilespmem:$0x1AC40] =	vst v63  }
0x39: {  	_ =	swait.ge [sflag:s4], $0x8000  }
0x3a: {  	[sflag:s4] =	ssyncset.done $0x0  }
0x3b: {  	[sflag:s4] =	ssyncadd.s32 $0xFFFF8000  }
0x3c: {  	[tilespmem:s10], [sflag:$0x1] =	stream.indirect.gather [spmem:s2], $0x80, s20, s11, $0xb8;
	[tilespmem:$0x1AC40] =	vst v63  }
0x3d: {  	_ =	swait.ge [sflag:s8], $0x8000  }
0x3e: {  	[sflag:s8] =	ssyncset.done $0x0  }
0x3f: {  	s0 =	rddreg [dreg:$0x8];
	[sflag:s8] =	ssyncadd.s32 $0xFFFF8000  }
0x40: {  	[hbm4b:s0+s1] =	stream.linear.scatter [tilespmem:s9], [sflag:$0x2], $0x8000, $0x38;
	[tilespmem:$0x1AC40] =	vst v63  }
0x41: {  	_ =	swait.ge [sflag:s4], $0x8000  }
0x42: {  	[sflag:s4] =	ssyncset.done $0x0  }
0x43: {  	[sflag:s4] =	ssyncadd.s32 $0xFFFF8000  }
0x44: {  	[tilespmem:s9], [sflag:$0x1] =	stream.indirect.gather [spmem:s2], $0x80, s19, s11, $0xb8;
	[tilespmem:$0x1AC40] =	vst v63  }
0x45: {  	_ =	swait.ge [sflag:s8], $0x8000  }
0x46: {  	[sflag:s8] =	ssyncset.done $0x0  }
0x47: {  	s0 =	rddreg [dreg:$0x9];
	[sflag:s8] =	ssyncadd.s32 $0xFFFF8000  }
0x48: {  	[hbm4b:s0+s1] =	stream.linear.scatter [tilespmem:s6], [sflag:$0x2], $0x8000, $0x38;
	[tilespmem:$0x1AC40] =	vst v63  }
0x49: {  	_ =	swait.ge [sflag:s4], $0x8000  }
0x4a: {  	[sflag:s4] =	ssyncset.done $0x0  }
0x4b: {  	[sflag:s4] =	ssyncadd.s32 $0xFFFF8000  }
0x4c: {  	[tilespmem:s6], [sflag:$0x1] =	stream.indirect.gather [spmem:s2], $0x80, s18, s11, $0xb8;
	[tilespmem:$0x1AC40] =	vst v63  }
0x4d: {  	_ =	swait.ge [sflag:s8], $0x8000  }
0x4e: {  	[sflag:s8] =	ssyncset.done $0x0  }
0x4f: {  	s0 =	rddreg [dreg:$0xa];
	[sflag:s8] =	ssyncadd.s32 $0xFFFF8000  }
0x50: {  	[hbm4b:s0+s1] =	stream.linear.scatter [tilespmem:s10], [sflag:$0x2], $0x8000, $0x38;
	[tilespmem:$0x1AC40] =	vst v63  }
0x51: {  	_ =	swait.ge [sflag:s4], $0x8000  }
0x52: {  	[sflag:s4] =	ssyncset.done $0x0  }
0x53: {  	[sflag:s4] =	ssyncadd.s32 $0xFFFF8000  }
0x54: {  	[tilespmem:s10], [sflag:$0x1] =	stream.indirect.gather [spmem:s2], $0x80, s17, s11, $0xb8;
	[tilespmem:$0x1AC40] =	vst v63  }
0x55: {  	_ =	swait.ge [sflag:s8], $0x8000  }
0x56: {  	[sflag:s8] =	ssyncset.done $0x0  }
0x57: {  	s0 =	rddreg [dreg:$0xb];
	[sflag:s8] =	ssyncadd.s32 $0xFFFF8000  }
0x58: {  	[hbm4b:s0+s1] =	stream.linear.scatter [tilespmem:s9], [sflag:$0x2], $0x8000, $0x38;
	[tilespmem:$0x1AC40] =	vst v63  }
0x59: {  	_ =	swait.ge [sflag:s4], $0x8000  }
0x5a: {  	[sflag:s4] =	ssyncset.done $0x0  }
0x5b: {  	[sflag:s4] =	ssyncadd.s32 $0xFFFF8000  }
0x5c: {  	[tilespmem:s9], [sflag:$0x1] =	stream.indirect.gather [spmem:s2], $0x80, s16, s11, $0xb8;
	[tilespmem:$0x1AC40] =	vst v63  }
0x5d: {  	_ =	swait.ge [sflag:s8], $0x8000  }
0x5e: {  	[sflag:s8] =	ssyncset.done $0x0  }
0x5f: {  	s0 =	rddreg [dreg:$0xc];
	[sflag:s8] =	ssyncadd.s32 $0xFFFF8000  }
0x60: {  	[hbm4b:s0+s1] =	stream.linear.scatter [tilespmem:s6], [sflag:$0x2], $0x8000, $0x38;
	[tilespmem:$0x1AC40] =	vst v63  }
0x61: {  	_ =	swait.ge [sflag:s4], $0x8000  }
0x62: {  	[sflag:s4] =	ssyncset.done $0x0  }
0x63: {  	[sflag:s4] =	ssyncadd.s32 $0xFFFF8000  }
0x64: {  	[tilespmem:s6], [sflag:$0x1] =	stream.indirect.gather [spmem:s2], $0x80, s15, s11, $0xb8;
	[tilespmem:$0x1AC40] =	vst v63  }
0x65: {  	_ =	swait.ge [sflag:s8], $0x8000  }
0x66: {  	[sflag:s8] =	ssyncset.done $0x0  }
0x67: {  	s0 =	rddreg [dreg:$0xd];
	[sflag:s8] =	ssyncadd.s32 $0xFFFF8000  }
0x68: {  	[hbm4b:s0+s1] =	stream.linear.scatter [tilespmem:s10], [sflag:$0x2], $0x8000, $0x38;
	[tilespmem:$0x1AC40] =	vst v63  }
0x69: {  	_ =	swait.ge [sflag:s4], $0x8000  }
0x6a: {  	[sflag:s4] =	ssyncset.done $0x0  }
0x6b: {  	[sflag:s4] =	ssyncadd.s32 $0xFFFF8000  }
0x6c: {  	[tilespmem:s10], [sflag:$0x1] =	stream.indirect.gather [spmem:s2], $0x80, s14, s11, $0xb8;
	[tilespmem:$0x1AC40] =	vst v63  }
0x6d: {  	_ =	swait.ge [sflag:s8], $0x8000  }
0x6e: {  	[sflag:s8] =	ssyncset.done $0x0  }
0x6f: {  	s0 =	rddreg [dreg:$0xe];
	[sflag:s8] =	ssyncadd.s32 $0xFFFF8000  }
0x70: {  	[hbm4b:s0+s1] =	stream.linear.scatter [tilespmem:s9], [sflag:$0x2], $0x8000, $0x38;
	[tilespmem:$0x1AC40] =	vst v63  }
0x71: {  	_ =	swait.ge [sflag:s4], $0x8000  }
0x72: {  	[sflag:s4] =	ssyncset.done $0x0  }
0x73: {  	[sflag:s4] =	ssyncadd.s32 $0xFFFF8000  }
0x74: {  	[tilespmem:s9], [sflag:$0x1] =	stream.indirect.gather [spmem:s2], $0x80, s13, s11, $0xb8;
	[tilespmem:$0x1AC40] =	vst v63  }
0x75: {  	_ =	swait.ge [sflag:s8], $0x8000  }
0x76: {  	[sflag:s8] =	ssyncset.done $0x0  }
0x77: {  	s0 =	rddreg [dreg:$0xf];
	[sflag:s8] =	ssyncadd.s32 $0xFFFF8000  }
0x78: {  	[hbm4b:s0+s1] =	stream.linear.scatter [tilespmem:s6], [sflag:$0x2], $0x8000, $0x38;
	[tilespmem:$0x1AC40] =	vst v63  }
0x79: {  	_ =	swait.ge [sflag:s4], $0x8000  }
0x7a: {  	[sflag:s4] =	ssyncset.done $0x0  }
0x7b: {  	s0 =	simm.s32 $0xC00;
	[sflag:s4] =	ssyncadd.s32 $0xFFFF8000  }
0x7c: {  	[tilespmem:s6], [sflag:$0x1] =	stream.indirect.gather [spmem:s2], $0x80, s0, s11, $0xb8;
	[tilespmem:$0x1AC40] =	vst v63  }
0x7d: {  	_ =	swait.ge [sflag:s8], $0x8000  }
0x7e: {  	[sflag:s8] =	ssyncset.done $0x0  }
0x7f: {  	[sflag:s8] =	ssyncadd.s32 $0xFFFF8000  }
0x80: {  	[hbm4b:s7+s1] =	stream.linear.scatter [tilespmem:s10], [sflag:$0x2], $0x8000, $0x38;
	[tilespmem:$0x1AC40] =	vst v63  }
0x81: {  	_ =	swait.ge [sflag:s8], $0x8000  }
0x82: {  	[sflag:s8] =	ssyncset.done $0x0  }
0x83: {  	[sflag:s8] =	ssyncadd.s32 $0xFFFF8000  }
0x84: {  	[hbm4b:s5+s1] =	stream.linear.scatter [tilespmem:s9], [sflag:$0x2], $0x8000, $0x38;
	[tilespmem:$0x1AC40] =	vst v63  }
0x85: {  	_ =	swait.ge [sflag:s8], $0x8000  }
0x86: {  	[sflag:s8] =	ssyncset.done $0x0  }
0x87: {  	[sflag:s8] =	ssyncadd.s32 $0xFFFF8000  }
0x88: {  	[hbm4b:s3+s1] =	stream.linear.scatter [tilespmem:s6], [sflag:$0x2], $0x8000, $0x38;
	[tilespmem:$0x1AC40] =	vst v63  }
0x89: {  	_ =	swait.ge [sflag:s4], $0x8000  }
0x8a: {  	s0 =	sadd.s32 $0xFFFFFFFF, s12;
	[sflag:s4] =	ssyncset.done $0x0  }
0x8b: {  	p2 =	sne.s32 s0, $0x0;
	[sflag:s4] =	ssyncadd.s32 $0xFFFF8000  }
.Ltmp1:
0x8c: {  	_ =	swait.ge [sflag:s4], $0x8000;
	(pc) =	sbr.rel @!p2 .LBB2_2-.Ltmp1, $4  }
0x8d: {  	[sflag:s4] =	ssyncset.done $0x0  }
0x8e: {  	[sflag:s4] =	ssyncadd.s32 $0xFFFF8000  }
0x8f: {  	_ =	swait.ge [sflag:s4], $0x8000  }
0x90: {  	p1 =	por $0x1, $0x1;
	[sflag:s4] =	ssyncset.done $0x0  }
.LBB2_3:
0x91: {  	[sflag:s4] =	ssyncadd.s32 $0xFFFF8000  }
0x92: {  	[tilespmem:s25], [sflag:$0x4] =	stream.linear.gather @p0 [hbm4b:s22+s25], $0xD00, $0x38;
	[tilespmem:$0x1AC40] =	vst v63  }
0x93: {  	_ =	swait.ge @p0 [sflag:s26], $0xD00  }
0x94: {  	[sflag:s26] =	ssyncset.done @p0 $0x0  }
0x95: {  	s12 =	rddreg [dreg:$0x5];
	[sflag:s26] =	ssyncadd.s32 @p0 $0xFFFFF300  }
0x96: {  	[spmem:s24], [sflag:s28] =	dma.local @!p0 [hbm:s12], $0x3E80  }
0x97: {  	[tilespmem:s29], [sflag:$0x4] =	stream.linear.gather @!p0 [hbm4b:s22+s29], $0xD00, $0x38;
	[tilespmem:$0x1AC40] =	vst v63  }
0x98: {  	_ =	swait.ge @!p0 [sflag:s30], $0xD00  }
0x99: {  	[sflag:s30] =	ssyncset.done @!p0 $0x0  }
0x9a: {  	[sflag:s30] =	ssyncadd.s32 @!p0 $0xFFFFF300  }
0x9b: {  	_ =	swait.ge @!p0 [sflag:s31], $0x3E80  }
0x9c: {  	[sflag:s31] =	ssyncset.done @!p0 $0x0  }
0x9d: {  	[sflag:s31] =	ssyncadd.s32 @!p0 $0xFFFFC180  }
0x9e: {  	[bflag:$0x0] =	sbarrier.arrive $0xFFFF  }
0x9f: {  	[tilespmem:s6], [sflag:$0x1] =	stream.indirect.gather [spmem:s2], $0x80, s1, s11, $0xb8;
	[tilespmem:$0x1AC40] =	vst v63  }
0xa0: {  	_ = 	snop  }
0xa1: {  	[tilespmem:s10], [sflag:$0x1] =	stream.indirect.gather [spmem:s2], $0x80, s11, s11, $0xb8;
	[tilespmem:$0x1AC40] =	vst v63  }
0xa2: {  	_ = 	snop  }
0xa3: {  	[tilespmem:s9], [sflag:$0x1] =	stream.indirect.gather [spmem:s2], $0x80, s23, s11, $0xb8;
	[tilespmem:$0x1AC40] =	vst v63  }
0xa4: {  	_ =	swait.ge [sflag:s8], $0x8000  }
0xa5: {  	[sflag:s8] =	ssyncset.done $0x0  }
0xa6: {  	s12 =	rddreg [dreg:$0x6];
	[sflag:s8] =	ssyncadd.s32 $0xFFFF8000  }
0xa7: {  	[hbm4b:s12+s1] =	stream.linear.scatter [tilespmem:s6], [sflag:$0x2], $0x8000, $0x38;
	[tilespmem:$0x1AC40] =	vst v63  }
0xa8: {  	_ =	swait.ge [sflag:s4], $0x8000  }
0xa9: {  	[sflag:s4] =	ssyncset.done $0x0  }
0xaa: {  	[sflag:s4] =	ssyncadd.s32 $0xFFFF8000  }
0xab: {  	[tilespmem:s6], [sflag:$0x1] =	stream.indirect.gather [spmem:s2], $0x80, s21, s11, $0xb8;
	[tilespmem:$0x1AC40] =	vst v63  }
0xac: {  	_ =	swait.ge [sflag:s8], $0x8000  }
0xad: {  	[sflag:s8] =	ssyncset.done $0x0  }
0xae: {  	s12 =	rddreg [dreg:$0x7];
	[sflag:s8] =	ssyncadd.s32 $0xFFFF8000  }
0xaf: {  	[hbm4b:s12+s1] =	stream.linear.scatter [tilespmem:s10], [sflag:$0x2], $0x8000, $0x38;
	[tilespmem:$0x1AC40] =	vst v63  }
0xb0: {  	_ =	swait.ge [sflag:s4], $0x8000  }
0xb1: {  	[sflag:s4] =	ssyncset.done $0x0  }
0xb2: {  	[sflag:s4] =	ssyncadd.s32 $0xFFFF8000  }
0xb3: {  	[tilespmem:s10], [sflag:$0x1] =	stream.indirect.gather [spmem:s2], $0x80, s20, s11, $0xb8;
	[tilespmem:$0x1AC40] =	vst v63  }
0xb4: {  	_ =	swait.ge [sflag:s8], $0x8000  }
0xb5: {  	[sflag:s8] =	ssyncset.done $0x0  }
0xb6: {  	s12 =	rddreg [dreg:$0x8];
	[sflag:s8] =	ssyncadd.s32 $0xFFFF8000  }
0xb7: {  	[hbm4b:s12+s1] =	stream.linear.scatter [tilespmem:s9], [sflag:$0x2], $0x8000, $0x38;
	[tilespmem:$0x1AC40] =	vst v63  }
0xb8: {  	_ =	swait.ge [sflag:s4], $0x8000  }
0xb9: {  	[sflag:s4] =	ssyncset.done $0x0  }
0xba: {  	[sflag:s4] =	ssyncadd.s32 $0xFFFF8000  }
0xbb: {  	[tilespmem:s9], [sflag:$0x1] =	stream.indirect.gather [spmem:s2], $0x80, s19, s11, $0xb8;
	[tilespmem:$0x1AC40] =	vst v63  }
0xbc: {  	_ =	swait.ge [sflag:s8], $0x8000  }
0xbd: {  	[sflag:s8] =	ssyncset.done $0x0  }
0xbe: {  	s12 =	rddreg [dreg:$0x9];
	[sflag:s8] =	ssyncadd.s32 $0xFFFF8000  }
0xbf: {  	[hbm4b:s12+s1] =	stream.linear.scatter [tilespmem:s6], [sflag:$0x2], $0x8000, $0x38;
	[tilespmem:$0x1AC40] =	vst v63  }
0xc0: {  	_ =	swait.ge [sflag:s4], $0x8000  }
0xc1: {  	[sflag:s4] =	ssyncset.done $0x0  }
0xc2: {  	[sflag:s4] =	ssyncadd.s32 $0xFFFF8000  }
0xc3: {  	[tilespmem:s6], [sflag:$0x1] =	stream.indirect.gather [spmem:s2], $0x80, s18, s11, $0xb8;
	[tilespmem:$0x1AC40] =	vst v63  }
0xc4: {  	_ =	swait.ge [sflag:s8], $0x8000  }
0xc5: {  	[sflag:s8] =	ssyncset.done $0x0  }
0xc6: {  	s12 =	rddreg [dreg:$0xa];
	[sflag:s8] =	ssyncadd.s32 $0xFFFF8000  }
0xc7: {  	[hbm4b:s12+s1] =	stream.linear.scatter [tilespmem:s10], [sflag:$0x2], $0x8000, $0x38;
	[tilespmem:$0x1AC40] =	vst v63  }
0xc8: {  	_ =	swait.ge [sflag:s4], $0x8000  }
0xc9: {  	[sflag:s4] =	ssyncset.done $0x0  }
0xca: {  	[sflag:s4] =	ssyncadd.s32 $0xFFFF8000  }
0xcb: {  	[tilespmem:s10], [sflag:$0x1] =	stream.indirect.gather [spmem:s2], $0x80, s17, s11, $0xb8;
	[tilespmem:$0x1AC40] =	vst v63  }
0xcc: {  	_ =	swait.ge [sflag:s8], $0x8000  }
0xcd: {  	[sflag:s8] =	ssyncset.done $0x0  }
0xce: {  	s12 =	rddreg [dreg:$0xb];
	[sflag:s8] =	ssyncadd.s32 $0xFFFF8000  }
0xcf: {  	[hbm4b:s12+s1] =	stream.linear.scatter [tilespmem:s9], [sflag:$0x2], $0x8000, $0x38;
	[tilespmem:$0x1AC40] =	vst v63  }
0xd0: {  	_ =	swait.ge [sflag:s4], $0x8000  }
0xd1: {  	[sflag:s4] =	ssyncset.done $0x0  }
0xd2: {  	[sflag:s4] =	ssyncadd.s32 $0xFFFF8000  }
0xd3: {  	[tilespmem:s9], [sflag:$0x1] =	stream.indirect.gather [spmem:s2], $0x80, s16, s11, $0xb8;
	[tilespmem:$0x1AC40] =	vst v63  }
0xd4: {  	_ =	swait.ge [sflag:s8], $0x8000  }
0xd5: {  	[sflag:s8] =	ssyncset.done $0x0  }
0xd6: {  	s12 =	rddreg [dreg:$0xc];
	[sflag:s8] =	ssyncadd.s32 $0xFFFF8000  }
0xd7: {  	[hbm4b:s12+s1] =	stream.linear.scatter [tilespmem:s6], [sflag:$0x2], $0x8000, $0x38;
	[tilespmem:$0x1AC40] =	vst v63  }
0xd8: {  	_ =	swait.ge [sflag:s4], $0x8000  }
0xd9: {  	[sflag:s4] =	ssyncset.done $0x0  }
0xda: {  	[sflag:s4] =	ssyncadd.s32 $0xFFFF8000  }
0xdb: {  	[tilespmem:s6], [sflag:$0x1] =	stream.indirect.gather [spmem:s2], $0x80, s15, s11, $0xb8;
	[tilespmem:$0x1AC40] =	vst v63  }
0xdc: {  	_ =	swait.ge [sflag:s8], $0x8000  }
0xdd: {  	[sflag:s8] =	ssyncset.done $0x0  }
0xde: {  	s12 =	rddreg [dreg:$0xd];
	[sflag:s8] =	ssyncadd.s32 $0xFFFF8000  }
0xdf: {  	[hbm4b:s12+s1] =	stream.linear.scatter [tilespmem:s10], [sflag:$0x2], $0x8000, $0x38;
	[tilespmem:$0x1AC40] =	vst v63  }
0xe0: {  	_ =	swait.ge [sflag:s4], $0x8000  }
0xe1: {  	[sflag:s4] =	ssyncset.done $0x0  }
0xe2: {  	[sflag:s4] =	ssyncadd.s32 $0xFFFF8000  }
0xe3: {  	[tilespmem:s10], [sflag:$0x1] =	stream.indirect.gather [spmem:s2], $0x80, s14, s11, $0xb8;
	[tilespmem:$0x1AC40] =	vst v63  }
0xe4: {  	_ =	swait.ge [sflag:s8], $0x8000  }
0xe5: {  	[sflag:s8] =	ssyncset.done $0x0  }
0xe6: {  	s12 =	rddreg [dreg:$0xe];
	[sflag:s8] =	ssyncadd.s32 $0xFFFF8000  }
0xe7: {  	[hbm4b:s12+s1] =	stream.linear.scatter [tilespmem:s9], [sflag:$0x2], $0x8000, $0x38;
	[tilespmem:$0x1AC40] =	vst v63  }
0xe8: {  	_ =	swait.ge [sflag:s4], $0x8000  }
0xe9: {  	[sflag:s4] =	ssyncset.done $0x0  }
0xea: {  	[sflag:s4] =	ssyncadd.s32 $0xFFFF8000  }
0xeb: {  	[tilespmem:s9], [sflag:$0x1] =	stream.indirect.gather [spmem:s2], $0x80, s13, s11, $0xb8;
	[tilespmem:$0x1AC40] =	vst v63  }
0xec: {  	_ =	swait.ge [sflag:s8], $0x8000  }
0xed: {  	[sflag:s8] =	ssyncset.done $0x0  }
0xee: {  	s12 =	rddreg [dreg:$0xf];
	[sflag:s8] =	ssyncadd.s32 $0xFFFF8000  }
0xef: {  	[hbm4b:s12+s1] =	stream.linear.scatter [tilespmem:s6], [sflag:$0x2], $0x8000, $0x38;
	[tilespmem:$0x1AC40] =	vst v63  }
0xf0: {  	_ =	swait.ge [sflag:s4], $0x8000  }
0xf1: {  	[sflag:s4] =	ssyncset.done $0x0  }
0xf2: {  	s12 =	simm.s32 $0xC00;
	[sflag:s4] =	ssyncadd.s32 $0xFFFF8000  }
0xf3: {  	[tilespmem:s6], [sflag:$0x1] =	stream.indirect.gather [spmem:s2], $0x80, s12, s11, $0xb8;
	[tilespmem:$0x1AC40] =	vst v63  }
0xf4: {  	_ =	swait.ge [sflag:s8], $0x8000  }
0xf5: {  	[sflag:s8] =	ssyncset.done $0x0  }
0xf6: {  	[sflag:s8] =	ssyncadd.s32 $0xFFFF8000  }
0xf7: {  	[hbm4b:s7+s1] =	stream.linear.scatter [tilespmem:s10], [sflag:$0x2], $0x8000, $0x38;
	[tilespmem:$0x1AC40] =	vst v63  }
0xf8: {  	_ =	swait.ge [sflag:s8], $0x8000  }
0xf9: {  	[sflag:s8] =	ssyncset.done $0x0  }
0xfa: {  	[sflag:s8] =	ssyncadd.s32 $0xFFFF8000  }
0xfb: {  	[hbm4b:s5+s1] =	stream.linear.scatter [tilespmem:s9], [sflag:$0x2], $0x8000, $0x38;
	[tilespmem:$0x1AC40] =	vst v63  }
0xfc: {  	_ =	swait.ge [sflag:s8], $0x8000  }
0xfd: {  	[sflag:s8] =	ssyncset.done $0x0  }
0xfe: {  	[sflag:s8] =	ssyncadd.s32 $0xFFFF8000  }
0xff: {  	[hbm4b:s3+s1] =	stream.linear.scatter [tilespmem:s6], [sflag:$0x2], $0x8000, $0x38;
	[tilespmem:$0x1AC40] =	vst v63  }
0x100: {  	_ =	swait.ge [sflag:s4], $0x8000  }
0x101: {  	s0 =	sadd.s32 $0xFFFFFFFF, s0;
	[sflag:s4] =	ssyncset.done $0x0  }
0x102: {  	p2 =	sne.s32 s0, $0x0;
	[sflag:s4] =	ssyncadd.s32 $0xFFFF8000  }
.Ltmp2:
0x103: {  	_ =	swait.ge [sflag:s4], $0x8000;
	(pc) =	sbr.rel @p2 .LBB2_3-.Ltmp2, $4  }
0x104: {  	[sflag:s4] =	ssyncset.done $0x0  }
0x105: {  	[sflag:s4] =	ssyncadd.s32 $0xFFFF8000  }
0x106: {  	_ =	swait.ge [sflag:s4], $0x8000  }
0x107: {  	[sflag:s4] =	ssyncset.done $0x0  }
0x108: {  	s25 =	rddreg [dreg:$0x4]  }
.LBB2_5:
0x109: {  	s0 =	simm.s32 @p0 $0x0;
	[sflag:s4] =	ssyncadd.s32 @p1 $0xFFFF8000  }
0x10a: {  	[tilespmem:s0], [sflag:$0x4] =	stream.linear.gather @p0 [hbm4b:s22+s0], $0xD00, $0x38;
	[tilespmem:$0x1AC40] =	vst v63  }
0x10b: {  	s0 =	simm.s32 @p0 $0x4  }
0x10c: {  	_ =	swait.ge @p0 [sflag:s0], $0xD00  }
0x10d: {  	[sflag:s0] =	ssyncset.done @p0 $0x0  }
0x10e: {  	s12 =	rddreg [dreg:$0x5];
	[sflag:s0] =	ssyncadd.s32 @p0 $0xFFFFF300;
	s0 =	simm.s32 @!p0 $0x1C03  }
0x10f: {  	[spmem:s24], [sflag:s0] =	dma.local @!p0 [hbm:s12], $0x3E80  }
0x110: {  	s0 =	simm.s32 @!p0 $0x0  }
0x111: {  	[tilespmem:s0], [sflag:$0x4] =	stream.linear.gather @!p0 [hbm4b:s22+s0], $0xD00, $0x38;
	[tilespmem:$0x1AC40] =	vst v63  }
0x112: {  	s0 =	simm.s32 @!p0 $0x4  }
0x113: {  	_ =	swait.ge @!p0 [sflag:s0], $0xD00  }
0x114: {  	[sflag:s0] =	ssyncset.done @!p0 $0x0  }
0x115: {  	[sflag:s0] =	ssyncadd.s32 @!p0 $0xFFFFF300;
	s0 =	simm.s32 @!p0 $0x3  }
0x116: {  	_ =	swait.ge @!p0 [sflag:s0], $0x3E80  }
0x117: {  	[sflag:s0] =	ssyncset.done @!p0 $0x0  }
0x118: {  	[sflag:s0] =	ssyncadd.s32 @!p0 $0xFFFFC180  }
0x119: {  	[bflag:$0x0] =	sbarrier.arrive $0xFFFF  }
0x11a: {  	[tilespmem:s6], [sflag:$0x1] =	stream.indirect.gather [spmem:s2], $0x80, s1, s11, $0xb8;
	[tilespmem:$0x1AC40] =	vst v63  }
0x11b: {  	_ = 	snop  }
0x11c: {  	[tilespmem:s10], [sflag:$0x1] =	stream.indirect.gather [spmem:s2], $0x80, s11, s11, $0xb8;
	[tilespmem:$0x1AC40] =	vst v63  }
0x11d: {  	_ = 	snop  }
0x11e: {  	[tilespmem:s9], [sflag:$0x1] =	stream.indirect.gather [spmem:s2], $0x80, s23, s11, $0xb8;
	[tilespmem:$0x1AC40] =	vst v63  }
0x11f: {  	_ =	swait.ge [sflag:s8], $0x8000  }
0x120: {  	[sflag:s8] =	ssyncset.done $0x0  }
0x121: {  	s31 =	rddreg [dreg:$0x6];
	[sflag:s8] =	ssyncadd.s32 $0xFFFF8000  }
0x122: {  	[hbm4b:s31+s1] =	stream.linear.scatter [tilespmem:s6], [sflag:$0x2], $0x8000, $0x38;
	[tilespmem:$0x1AC40] =	vst v63  }
0x123: {  	_ =	swait.ge [sflag:s4], $0x8000  }
0x124: {  	[sflag:s4] =	ssyncset.done $0x0  }
0x125: {  	[sflag:s4] =	ssyncadd.s32 $0xFFFF8000  }
0x126: {  	[tilespmem:s6], [sflag:$0x1] =	stream.indirect.gather [spmem:s2], $0x80, s21, s11, $0xb8;
	[tilespmem:$0x1AC40] =	vst v63  }
0x127: {  	_ =	swait.ge [sflag:s8], $0x8000  }
0x128: {  	[sflag:s8] =	ssyncset.done $0x0  }
0x129: {  	s12 =	rddreg [dreg:$0x7];
	[sflag:s8] =	ssyncadd.s32 $0xFFFF8000  }
0x12a: {  	[hbm4b:s12+s1] =	stream.linear.scatter [tilespmem:s10], [sflag:$0x2], $0x8000, $0x38;
	[tilespmem:$0x1AC40] =	vst v63  }
0x12b: {  	_ =	swait.ge [sflag:s4], $0x8000  }
0x12c: {  	[sflag:s4] =	ssyncset.done $0x0  }
0x12d: {  	[sflag:s4] =	ssyncadd.s32 $0xFFFF8000  }
0x12e: {  	[tilespmem:s10], [sflag:$0x1] =	stream.indirect.gather [spmem:s2], $0x80, s20, s11, $0xb8;
	[tilespmem:$0x1AC40] =	vst v63  }
0x12f: {  	_ =	swait.ge [sflag:s8], $0x8000  }
0x130: {  	[sflag:s8] =	ssyncset.done $0x0  }
0x131: {  	s21 =	rddreg [dreg:$0x8];
	[sflag:s8] =	ssyncadd.s32 $0xFFFF8000  }
0x132: {  	[hbm4b:s21+s1] =	stream.linear.scatter [tilespmem:s9], [sflag:$0x2], $0x8000, $0x38;
	[tilespmem:$0x1AC40] =	vst v63  }
0x133: {  	_ =	swait.ge [sflag:s4], $0x8000  }
0x134: {  	[sflag:s4] =	ssyncset.done $0x0  }
0x135: {  	[sflag:s4] =	ssyncadd.s32 $0xFFFF8000  }
0x136: {  	[tilespmem:s9], [sflag:$0x1] =	stream.indirect.gather [spmem:s2], $0x80, s19, s11, $0xb8;
	[tilespmem:$0x1AC40] =	vst v63  }
0x137: {  	_ =	swait.ge [sflag:s8], $0x8000  }
0x138: {  	[sflag:s8] =	ssyncset.done $0x0  }
0x139: {  	s22 =	rddreg [dreg:$0x9];
	[sflag:s8] =	ssyncadd.s32 $0xFFFF8000  }
0x13a: {  	[hbm4b:s22+s1] =	stream.linear.scatter [tilespmem:s6], [sflag:$0x2], $0x8000, $0x38;
	[tilespmem:$0x1AC40] =	vst v63  }
0x13b: {  	_ =	swait.ge [sflag:s4], $0x8000  }
0x13c: {  	[sflag:s4] =	ssyncset.done $0x0  }
0x13d: {  	[sflag:s4] =	ssyncadd.s32 $0xFFFF8000  }
0x13e: {  	[tilespmem:s6], [sflag:$0x1] =	stream.indirect.gather [spmem:s2], $0x80, s18, s11, $0xb8;
	[tilespmem:$0x1AC40] =	vst v63  }
0x13f: {  	_ =	swait.ge [sflag:s8], $0x8000  }
0x140: {  	[sflag:s8] =	ssyncset.done $0x0  }
0x141: {  	s23 =	rddreg [dreg:$0xa];
	[sflag:s8] =	ssyncadd.s32 $0xFFFF8000  }
0x142: {  	[hbm4b:s23+s1] =	stream.linear.scatter [tilespmem:s10], [sflag:$0x2], $0x8000, $0x38;
	[tilespmem:$0x1AC40] =	vst v63  }
0x143: {  	_ =	swait.ge [sflag:s4], $0x8000  }
0x144: {  	[sflag:s4] =	ssyncset.done $0x0  }
0x145: {  	[sflag:s4] =	ssyncadd.s32 $0xFFFF8000  }
0x146: {  	[tilespmem:s10], [sflag:$0x1] =	stream.indirect.gather [spmem:s2], $0x80, s17, s11, $0xb8;
	[tilespmem:$0x1AC40] =	vst v63  }
0x147: {  	_ =	swait.ge [sflag:s8], $0x8000  }
0x148: {  	[sflag:s8] =	ssyncset.done $0x0  }
0x149: {  	s24 =	rddreg [dreg:$0xb];
	[sflag:s8] =	ssyncadd.s32 $0xFFFF8000  }
0x14a: {  	[hbm4b:s24+s1] =	stream.linear.scatter [tilespmem:s9], [sflag:$0x2], $0x8000, $0x38;
	[tilespmem:$0x1AC40] =	vst v63  }
0x14b: {  	_ =	swait.ge [sflag:s4], $0x8000  }
0x14c: {  	[sflag:s4] =	ssyncset.done $0x0  }
0x14d: {  	[sflag:s4] =	ssyncadd.s32 $0xFFFF8000  }
0x14e: {  	[tilespmem:s9], [sflag:$0x1] =	stream.indirect.gather [spmem:s2], $0x80, s16, s11, $0xb8;
	[tilespmem:$0x1AC40] =	vst v63  }
0x14f: {  	_ =	swait.ge [sflag:s8], $0x8000  }
0x150: {  	[sflag:s8] =	ssyncset.done $0x0  }
0x151: {  	s28 =	rddreg [dreg:$0xc];
	[sflag:s8] =	ssyncadd.s32 $0xFFFF8000  }
0x152: {  	[hbm4b:s28+s1] =	stream.linear.scatter [tilespmem:s6], [sflag:$0x2], $0x8000, $0x38;
	[tilespmem:$0x1AC40] =	vst v63  }
0x153: {  	_ =	swait.ge [sflag:s4], $0x8000  }
0x154: {  	[sflag:s4] =	ssyncset.done $0x0  }
0x155: {  	[sflag:s4] =	ssyncadd.s32 $0xFFFF8000  }
0x156: {  	[tilespmem:s6], [sflag:$0x1] =	stream.indirect.gather [spmem:s2], $0x80, s15, s11, $0xb8;
	[tilespmem:$0x1AC40] =	vst v63  }
0x157: {  	_ =	swait.ge [sflag:s8], $0x8000  }
0x158: {  	[sflag:s8] =	ssyncset.done $0x0  }
0x159: {  	s29 =	rddreg [dreg:$0xd];
	[sflag:s8] =	ssyncadd.s32 $0xFFFF8000  }
0x15a: {  	[hbm4b:s29+s1] =	stream.linear.scatter [tilespmem:s10], [sflag:$0x2], $0x8000, $0x38;
	[tilespmem:$0x1AC40] =	vst v63  }
0x15b: {  	_ =	swait.ge [sflag:s4], $0x8000  }
0x15c: {  	[sflag:s4] =	ssyncset.done $0x0  }
0x15d: {  	[sflag:s4] =	ssyncadd.s32 $0xFFFF8000  }
0x15e: {  	[tilespmem:s10], [sflag:$0x1] =	stream.indirect.gather [spmem:s2], $0x80, s14, s11, $0xb8;
	[tilespmem:$0x1AC40] =	vst v63  }
0x15f: {  	_ =	swait.ge [sflag:s8], $0x8000  }
0x160: {  	[sflag:s8] =	ssyncset.done $0x0  }
0x161: {  	s30 =	rddreg [dreg:$0xe];
	[sflag:s8] =	ssyncadd.s32 $0xFFFF8000  }
0x162: {  	[hbm4b:s30+s1] =	stream.linear.scatter [tilespmem:s9], [sflag:$0x2], $0x8000, $0x38;
	[tilespmem:$0x1AC40] =	vst v63  }
0x163: {  	_ =	swait.ge [sflag:s4], $0x8000  }
0x164: {  	[sflag:s4] =	ssyncset.done $0x0  }
0x165: {  	[sflag:s4] =	ssyncadd.s32 $0xFFFF8000  }
0x166: {  	[tilespmem:s9], [sflag:$0x1] =	stream.indirect.gather [spmem:s2], $0x80, s13, s11, $0xb8;
	[tilespmem:$0x1AC40] =	vst v63  }
0x167: {  	_ =	swait.ge [sflag:s8], $0x8000  }
0x168: {  	[sflag:s8] =	ssyncset.done $0x0  }
0x169: {  	s31 =	rddreg [dreg:$0xf];
	[sflag:s8] =	ssyncadd.s32 $0xFFFF8000  }
0x16a: {  	[hbm4b:s31+s1] =	stream.linear.scatter [tilespmem:s6], [sflag:$0x2], $0x8000, $0x38;
	[tilespmem:$0x1AC40] =	vst v63  }
0x16b: {  	_ =	swait.ge [sflag:s4], $0x8000  }
0x16c: {  	[sflag:s4] =	ssyncset.done $0x0  }
0x16d: {  	s26 =	simm.s32 $0xC00;
	[sflag:s4] =	ssyncadd.s32 $0xFFFF8000  }
0x16e: {  	[tilespmem:s6], [sflag:$0x1] =	stream.indirect.gather [spmem:s2], $0x80, s26, s11, $0xb8;
	[tilespmem:$0x1AC40] =	vst v63  }
0x16f: {  	_ =	swait.ge [sflag:s8], $0x8000  }
0x170: {  	[sflag:s8] =	ssyncset.done $0x0  }
0x171: {  	[sflag:s8] =	ssyncadd.s32 $0xFFFF8000  }
0x172: {  	[hbm4b:s7+s1] =	stream.linear.scatter [tilespmem:s10], [sflag:$0x2], $0x8000, $0x38;
	[tilespmem:$0x1AC40] =	vst v63  }
0x173: {  	_ =	swait.ge [sflag:s8], $0x8000  }
0x174: {  	[sflag:s8] =	ssyncset.done $0x0  }
0x175: {  	[sflag:s8] =	ssyncadd.s32 $0xFFFF8000  }
0x176: {  	[hbm4b:s5+s1] =	stream.linear.scatter [tilespmem:s9], [sflag:$0x2], $0x8000, $0x38;
	[tilespmem:$0x1AC40] =	vst v63  }
0x177: {  	_ =	swait.ge [sflag:s8], $0x8000  }
0x178: {  	[sflag:s8] =	ssyncset.done $0x0  }
0x179: {  	[sflag:s8] =	ssyncadd.s32 $0xFFFF8000  }
0x17a: {  	[hbm4b:s3+s1] =	stream.linear.scatter [tilespmem:s6], [sflag:$0x2], $0x8000, $0x38;
	[tilespmem:$0x1AC40] =	vst v63  }
0x17b: {  	_ =	swait.ge [sflag:s4], $0x8000  }
0x17c: {  	[sflag:s4] =	ssyncset.done $0x0  }
0x17d: {  	[sflag:s4] =	ssyncadd.s32 $0xFFFF8000  }
0x17e: {  	_ =	swait.ge [sflag:s4], $0x8000  }
0x17f: {  	[sflag:s4] =	ssyncset.done $0x0  }
0x180: {  	[sflag:s4] =	ssyncadd.s32 $0xFFFF8000  }
0x181: {  	_ =	swait.ge [sflag:s4], $0x8000  }
0x182: {  	[sflag:s4] =	ssyncset.done $0x0  }
0x183: {  	[sflag:s4] =	ssyncadd.s32 $0xFFFF8000  }
0x184: {  	_ =	sfence.sel $0x180000  }
0x185: {  	[bflag:$0x0] =	sbarrier.arrive $0xFFFF  }
0x186: {  	_ =	strace $0x90000047  }
0x187: {  	s0 =	sadd.s32 @!p0 $0x100000, s25;
	[bflag:$0x2] =	sbarrier.arrive $0xFFFF  }
0x188: {  	[sflag:s0] =	ssyncadd.tile.s32 @!p0 $0x1;
	_ =	shalt  }
.LBB2_2:
.Ltmp3:
0x189: {  	(pc) =	sbr.rel .LBB2_5-.Ltmp3, $2  }
0x18a: {  	_ =	sdelay $0x2  }
0x18b: {  	s25 =	rddreg [dreg:$0x4]  }
.Lfunc_end2:
_tile_overlayer_lowered:
.L_overlay_start_2:
0x18c: {  	(tag) =	ssettag $0x2  }
0x18d: {  	s0 =	rddreg [dreg:$0x0];
	s2 =	stileid.u32  }
0x18e: {  	s1 =	rddreg [dreg:$0x1];
	p0 =	sne.s32 s2, $0x0  }
0x18f: {  	s3 =	rddreg [dreg:$0x2];
	[bflag:$0x3] =	sbarrier.arrive $0xFFFF;
	s2 =	simm.s32 @!p0 $0x1C04  }
0x190: {  	[timem:s3], [sflag:s2] =	dma.local @!p0 [hbm:s0], s1  }
0x191: {  	s0 =	simm.s32 @!p0 $0x4  }
0x192: {  	_ =	swait.ge @!p0 [sflag:s0], s1  }
0x193: {  	s1 =	ssub.s32 @!p0 $0x0, s1;
	[sflag:s0] =	ssyncset.done @!p0 $0x0  }
0x194: {  	[sflag:s0] =	ssyncadd.s32 @!p0 s1  }
0x195: {  	[bflag:$0x3] =	sbarrier.arrive $0xFFFF  }
0x196: {  	_ =	shalt  }

</sc_bundles>
